<compile_context>
chip_gen: v7x
topology: tpu7x:2x2x1
jax: 0.10.2.dev20260603
libtpu: 0.0.44.dev20260713+nightly
codegen_flags: <defaults>
</compile_context>

<pallas_src>
import functools

import jax
import jax.numpy as jnp
from jax import lax
from jax.experimental import pallas as pl
from jax.experimental.pallas import tpu as pltpu
from jax.experimental.pallas import tpu_sc as plsc

_EPS = 1e-12

_NC = 2
_NS = 16
_NW = _NC * _NS

_NCHUNK = 2


def _sc_gather(table, idx):
    BS = idx.shape[0]
    H = table.shape[1]
    b_per_w = BS // _NW
    CH = 80
    n_ch = b_per_w // CH
    n2 = n_ch // 2

    mesh = plsc.VectorSubcoreMesh(core_axis_name="c", subcore_axis_name="s")

    @functools.partial(
        pl.kernel,
        mesh=mesh,
        out_type=jax.ShapeDtypeStruct((BS, H), jnp.float32),
        scratch_types=[
            pltpu.VMEM((b_per_w,), jnp.int32),
            pltpu.VMEM((CH, H), jnp.float32),
            pltpu.VMEM((CH, H), jnp.float32),
            pltpu.SemaphoreType.DMA,
            pltpu.SemaphoreType.DMA,
            pltpu.SemaphoreType.DMA,
            pltpu.SemaphoreType.DMA,
        ],
    )
    def k(idx_hbm, table_hbm, out_hbm, idx_v, buf0, buf1, gs0, gs1, ws0, ws1):
        wid = lax.axis_index("s") * _NC + lax.axis_index("c")
        base = wid * b_per_w
        pltpu.sync_copy(idx_hbm.at[pl.ds(base, b_per_w)], idx_v)

        def g_start(c, buf, sem):
            pltpu.async_copy(table_hbm.at[idx_v.at[pl.ds(c * CH, CH)]],
                             buf, sem)

        def g_wait(buf, sem):
            pltpu.make_async_copy(table_hbm.at[idx_v.at[pl.ds(0, CH)]],
                                  buf, sem).wait()

        def w_start(c, buf, sem):
            pltpu.async_copy(buf, out_hbm.at[pl.ds(base + c * CH, CH)], sem)

        def w_wait(buf, sem):
            pltpu.make_async_copy(buf, out_hbm.at[pl.ds(base, CH)],
                                  sem).wait()

        g_start(0, buf0, gs0)

        def body(jj, carry):
            c0 = 2 * jj
            g_wait(buf0, gs0)
            g_start(c0 + 1, buf1, gs1)
            w_start(c0, buf0, ws0)
            g_wait(buf1, gs1)
            w_wait(buf0, ws0)
            g_start(c0 + 2, buf0, gs0)
            w_start(c0 + 1, buf1, ws1)
            w_wait(buf1, ws1)
            return carry

        lax.fori_loop(0, n2 - 1, body, 0)

        c0 = n_ch - 2
        g_wait(buf0, gs0)
        g_start(c0 + 1, buf1, gs1)
        w_start(c0, buf0, ws0)
        g_wait(buf1, gs1)
        w_wait(buf0, ws0)
        w_start(c0 + 1, buf1, ws1)
        w_wait(buf1, ws1)

    return k(idx, table)


def _tc_chunk(prev_out, gathered, ttf, ve3, vttf, pos_s, tte, vtte, vpos0,
              wt, b2, gam, bet, chunk, n_steps, BB, B, S, V, H, VD):
    c0 = chunk * n_steps

    def body(po_ref, g_ref, tt_ref, ve_ref, vtt_ref, pos_ref, tte_ref,
             vtte_ref, vpos_ref, w_ref, b_ref, gam_ref, bet_ref, o_ref):
        g = gam_ref[0, :]
        be = bet_ref[0, :]

        def ln(x):
            mu = jnp.mean(x, axis=-1, keepdims=True)
            xc = x - mu
            var = jnp.mean(xc * xc, axis=-1, keepdims=True)
            return xc * lax.rsqrt(var + _EPS) * g + be

        t0 = tte_ref[0, :]
        t1 = tte_ref[1, :]
        v0 = vtte_ref[0, :] + vpos_ref[0, :] + b_ref[0, :]
        v1 = vtte_ref[1, :] + vpos_ref[0, :] + b_ref[0, :]
        pbase = pos_ref[...] + t0[None, :]
        tdiff = (t1 - t0)[None, None, :]
        g3 = g_ref[...].reshape(BB, S, H)
        tt3 = tt_ref[...][:, :, None]
        text = g3 + pbase[None, :, :] + tt3 * tdiff
        o_ref[:, :S, :] = ln(text)
        veb = ve_ref[...].astype(jnp.bfloat16)
        vm = lax.dot_general(veb, w_ref[...], (((1,), (1,)), ((), ())),
                             preferred_element_type=jnp.float32)
        vtt2 = vtt_ref[...]
        vis = ln(vm + v0[None, :] + vtt2 * (v1 - v0)[None, :])
        o_ref[:, S:, :] = vis.reshape(BB, V, H)

    body_fn = body
    if prev_out is None:
        def body_fn(*refs):
            body(None, *refs)

    in_specs = [
        pl.BlockSpec((BB * S, H), lambda i: (i, 0)),
        pl.BlockSpec((BB, S), lambda i: (c0 + i, 0)),
        pl.BlockSpec((BB * V, VD), lambda i: (c0 + i, 0)),
        pl.BlockSpec((BB * V, 1), lambda i: (c0 + i, 0)),
        pl.BlockSpec((S, H), lambda i: (0, 0)),
        pl.BlockSpec((2, H), lambda i: (0, 0)),
        pl.BlockSpec((2, H), lambda i: (0, 0)),
        pl.BlockSpec((1, H), lambda i: (0, 0)),
        pl.BlockSpec((H, VD), lambda i: (0, 0)),
        pl.BlockSpec((1, H), lambda i: (0, 0)),
        pl.BlockSpec((1, H), lambda i: (0, 0)),
        pl.BlockSpec((1, H), lambda i: (0, 0)),
    ]
    args = [gathered, ttf, ve3, vttf, pos_s, tte, vtte, vpos0,
            wt, b2, gam, bet]
    aliases = {}
    if prev_out is not None:
        in_specs = [pl.BlockSpec(memory_space=pl.ANY)] + in_specs
        args = [prev_out] + args
        aliases = {0: 0}

    return pl.pallas_call(
        body_fn if prev_out is None else body,
        grid=(n_steps,),
        in_specs=in_specs,
        out_specs=pl.BlockSpec((BB, S + V, H), lambda i: (c0 + i, 0, 0)),
        out_shape=jax.ShapeDtypeStruct((B, S + V, H), jnp.float32),
        input_output_aliases=aliases,
    )(*args)


def kernel(input_ids, token_type_ids, visual_embeds, visual_token_type_ids,
           word_emb, pos_emb, tok_type_emb, vis_tok_type_emb, vis_pos_emb,
           vproj_w, vproj_b, ln_gamma, ln_beta):
    B, S = input_ids.shape
    H = word_emb.shape[1]
    V, VD = visual_embeds.shape[1], visual_embeds.shape[2]
    BB = 8
    Bc = B // _NCHUNK
    n_steps = Bc // BB

    ids = input_ids.reshape(-1)
    ttf = token_type_ids.astype(jnp.float32)
    vttf = visual_token_type_ids.astype(jnp.float32).reshape(B * V, 1)
    ve2 = visual_embeds.reshape(B * V, VD)
    wt = vproj_w.astype(jnp.bfloat16)
    common = (ttf, ve2, vttf, pos_emb[:S], tok_type_emb,
              vis_tok_type_emb, vis_pos_emb[0:1], wt, vproj_b.reshape(1, H),
              ln_gamma.reshape(1, H), ln_beta.reshape(1, H))

    gs = [_sc_gather(word_emb, ids[c * Bc * S:(c + 1) * Bc * S])
          for c in range(_NCHUNK)]
    out = None
    for c in range(_NCHUNK):
        out = _tc_chunk(out, gs[c], *common, chunk=c, n_steps=n_steps,
                        BB=BB, B=B, S=S, V=V, H=H, VD=VD)
    return out

# --- scband reference (transcript-rebuilt; emitter-appended) ---
"""Pipeline reference for scband-visual-bert-embeddings-12008728559961 (READ-ONLY COPY).

The authoritative reference and input builder live on the scoring server;
editing this copy changes nothing except your own understanding.
"""

import jax, jax.numpy as jnp
import numpy as np

VOCAB = 30522
HID = 768
MAXPOS = 512
TYPES = 2
VDIM = 2048
B = 256
S = 200
V = 25
EPS = 1e-12


def setup_inputs(seed: int = 0):
    key = jax.random.key(seed)
    ks = jax.random.split(key, 10)
    return {
        "input_ids": jax.random.randint(ks[0], (B, S), 0, VOCAB, dtype=jnp.int32),
        "token_type_ids": jnp.zeros((B, S), dtype=jnp.int32),
        "visual_embeds": jax.random.normal(ks[1], (B, V, VDIM), dtype=jnp.float32),
        "visual_token_type_ids": jnp.ones((B, V), dtype=jnp.int32),
        "word_emb": jax.random.normal(ks[2], (VOCAB, HID), dtype=jnp.float32) * 0.02,
        "pos_emb": jax.random.normal(ks[3], (MAXPOS, HID), dtype=jnp.float32) * 0.02,
        "tok_type_emb": jax.random.normal(ks[4], (TYPES, HID), dtype=jnp.float32) * 0.02,
        "vis_tok_type_emb": jax.random.normal(ks[5], (TYPES, HID), dtype=jnp.float32) * 0.02,
        "vis_pos_emb": jax.random.normal(ks[6], (MAXPOS, HID), dtype=jnp.float32) * 0.02,
        "vproj_w": jax.random.normal(ks[7], (HID, VDIM), dtype=jnp.float32) * (1.0 / np.sqrt(VDIM)),
        "vproj_b": jnp.zeros((HID,), dtype=jnp.float32),
        "ln_gamma": jnp.ones((HID,), dtype=jnp.float32),
        "ln_beta": jnp.zeros((HID,), dtype=jnp.float32),
    }


def _layernorm(x, g, b):
    mu = jnp.mean(x, axis=-1, keepdims=True)
    var = jnp.mean((x - mu) ** 2, axis=-1, keepdims=True)
    return (x - mu) / jnp.sqrt(var + EPS) * g + b


def reference(input_ids, token_type_ids, visual_embeds, visual_token_type_ids,
              word_emb, pos_emb, tok_type_emb, vis_tok_type_emb, vis_pos_emb,
              vproj_w, vproj_b, ln_gamma, ln_beta):
    seq_len = input_ids.shape[1]
    position_ids = jnp.arange(seq_len, dtype=jnp.int32)[None, :]
    # text embedding lookups (gathers)
    inputs_embeds = jnp.take(word_emb, input_ids, axis=0)
    position_embeddings = jnp.take(pos_emb, position_ids, axis=0)
    token_type_embeddings = jnp.take(tok_type_emb, token_type_ids, axis=0)
    embeddings = inputs_embeds + position_embeddings + token_type_embeddings
    # visual branch: projection + token-type lookup + position lookup (alignment=None -> zeros)
    visual_proj = jnp.einsum('bvd,hd->bvh', visual_embeds, vproj_w) + vproj_b
    visual_tt = jnp.take(vis_tok_type_emb, visual_token_type_ids, axis=0)
    visual_position_ids = jnp.zeros(visual_embeds.shape[:-1], dtype=jnp.int32)
    visual_pos = jnp.take(vis_pos_emb, visual_position_ids, axis=0)
    visual_embeddings = visual_proj + visual_tt + visual_pos
    embeddings = jnp.concatenate([embeddings, visual_embeddings], axis=1)
    embeddings = _layernorm(embeddings, ln_gamma, ln_beta)
    # dropout is identity in eval mode
    return embeddings

if __name__ == "__main__":
    import jax
    _d = setup_inputs()
    print(jax.jit(kernel)(*tuple(_d.values())))

</pallas_src>

<mosaic_0001>
#map = affine_map<(d0, d1) -> (0)>
#map1 = affine_map<(d0, d1) -> (0, 0)>
module attributes {stable_mosaic.version = 14 : i64} {
  func.func @k(%arg0: i32, %arg1: i32, %arg2: memref<25600xi32, #tpu.memory_space<hbm>>, %arg3: memref<30522x768xf32, #tpu.memory_space<hbm>>, %arg4: memref<25600x768xf32, #tpu.memory_space<hbm>>, %arg5: memref<800xi32, #tpu.memory_space<vmem>>, %arg6: memref<80x768xf32, #tpu.memory_space<vmem>>, %arg7: memref<80x768xf32, #tpu.memory_space<vmem>>, %arg8: memref<!tpu.dma_semaphore, #tpu.memory_space<semaphore_mem>>, %arg9: memref<!tpu.dma_semaphore, #tpu.memory_space<semaphore_mem>>, %arg10: memref<!tpu.dma_semaphore, #tpu.memory_space<semaphore_mem>>, %arg11: memref<!tpu.dma_semaphore, #tpu.memory_space<semaphore_mem>>) attributes {dimension_semantics = [#tpu.dimension_semantics<core_parallel>, #tpu.dimension_semantics<subcore_parallel>], iteration_bounds = array<i64: 2, 16>, scalar_prefetch = 0 : i64, scratch_operands = 7 : i64, tpu.core_type = #tpu.core_type<sc_vector_subcore>, window_params = [{transform_indices = #map}, {transform_indices = #map1}, {transform_indices = #map1}]} {
    %mul3A = arith.constant 2 : i32
    %mul3A_0 = arith.muli %arg1, %mul3A : i32
    %add3A = arith.addi %mul3A_0, %arg0 : i32
    %mul3A_1 = arith.constant 800 : i32
    %mul3A_2 = arith.muli %add3A, %mul3A_1 : i32
    "tpu.region"() ({
      %run_scoped3A = tpu.sem_alloc : memref<!tpu.dma_semaphore, #tpu.memory_space<semaphore_mem>>
      %dma_start3A_46 = tpu.memref_slice %arg2[%mul3A_2] : memref<25600xi32, #tpu.memory_space<hbm>> -> memref<800xi32, #tpu.memory_space<hbm>>
      %dma_start3A_47 = tpu.memref_slice %arg2[%mul3A_2] : memref<25600xi32, #tpu.memory_space<hbm>> -> memref<800xi32, #tpu.memory_space<hbm>>
      tpu.enqueue_dma source(%dma_start3A_47 : memref<800xi32, #tpu.memory_space<hbm>>) target(%arg5 : memref<800xi32, #tpu.memory_space<vmem>>) target_semaphore(%run_scoped3A : memref<!tpu.dma_semaphore, #tpu.memory_space<semaphore_mem>>)
      %dma_wait3A_48 = tpu.memref_slice %arg2[%mul3A_2] : memref<25600xi32, #tpu.memory_space<hbm>> -> memref<800xi32, #tpu.memory_space<hbm>>
      %dma_wait3A_49 = tpu.memref_slice %arg2[%mul3A_2] : memref<25600xi32, #tpu.memory_space<hbm>> -> memref<800xi32, #tpu.memory_space<hbm>>
      tpu.wait_dma2 semaphore(%run_scoped3A : memref<!tpu.dma_semaphore, #tpu.memory_space<semaphore_mem>>) src(%dma_wait3A_49 : memref<800xi32, #tpu.memory_space<hbm>>) dst(%arg5 : memref<800xi32, #tpu.memory_space<vmem>>)
      tpu.yield
    }) : () -> ()
    %dma_start3A = arith.constant 0 : i32
    %dma_start3A_3 = tpu.memref_slice %arg5[%dma_start3A] : memref<800xi32, #tpu.memory_space<vmem>> -> memref<80xi32, #tpu.memory_space<vmem>>
    %dma_start3A_4 = arith.constant 0 : i32
    %dma_start3A_5 = arith.constant 0 : i32
    %dma_start3A_6 = tpu.memref_slice %arg3[%dma_start3A_4, %dma_start3A_5] : memref<30522x768xf32, #tpu.memory_space<hbm>> -> memref<30522x768xf32, #tpu.memory_space<hbm>>
    tpu.enqueue_indirect_dma source(%dma_start3A_6 : memref<30522x768xf32, #tpu.memory_space<hbm>>) target(%arg6 : memref<80x768xf32, #tpu.memory_space<vmem>>) offsets(%dma_start3A_3 : memref<80xi32, #tpu.memory_space<vmem>>) semaphore(%arg8 : memref<!tpu.dma_semaphore, #tpu.memory_space<semaphore_mem>>)
    %scan3A = arith.constant 0 : i32
    %scan3A_7 = arith.constant 0 : i32
    %scan3A_8 = arith.constant 4 : i32
    %scan3A_9 = arith.addi %scan3A_7, %scan3A_8 : i32
    %scan3A_10 = arith.constant 1 : i32
    scf.for %scan3A_46 = %scan3A_7 to %scan3A_9 step %scan3A_10  : i32 {
      %mul3A_47 = arith.constant 2 : i32
      %mul3A_48 = arith.muli %mul3A_47, %scan3A_46 : i32
      %dma_wait3A_49 = arith.constant 0 : i32
      %dma_wait3A_50 = tpu.memref_slice %arg5[%dma_wait3A_49] : memref<800xi32, #tpu.memory_space<vmem>> -> memref<80xi32, #tpu.memory_space<vmem>>
      %dma_wait3A_51 = arith.constant 0 : i32
      %dma_wait3A_52 = arith.constant 0 : i32
      %dma_wait3A_53 = tpu.memref_slice %arg3[%dma_wait3A_51, %dma_wait3A_52] : memref<30522x768xf32, #tpu.memory_space<hbm>> -> memref<30522x768xf32, #tpu.memory_space<hbm>>
      tpu.wait_indirect_dma semaphore(%arg8 : memref<!tpu.dma_semaphore, #tpu.memory_space<semaphore_mem>>) src(%dma_wait3A_53 : memref<30522x768xf32, #tpu.memory_space<hbm>>) dst(%arg6 : memref<80x768xf32, #tpu.memory_space<vmem>>)
      %add3A_54 = arith.constant 1 : i32
      %add3A_55 = arith.addi %mul3A_48, %add3A_54 : i32
      %mul3A_56 = arith.constant 80 : i32
      %mul3A_57 = arith.muli %add3A_55, %mul3A_56 : i32
      %dma_start3A_58 = tpu.memref_slice %arg5[%mul3A_57] : memref<800xi32, #tpu.memory_space<vmem>> -> memref<80xi32, #tpu.memory_space<vmem>>
      %dma_start3A_59 = arith.constant 0 : i32
      %dma_start3A_60 = arith.constant 0 : i32
      %dma_start3A_61 = tpu.memref_slice %arg3[%dma_start3A_59, %dma_start3A_60] : memref<30522x768xf32, #tpu.memory_space<hbm>> -> memref<30522x768xf32, #tpu.memory_space<hbm>>
      tpu.enqueue_indirect_dma source(%dma_start3A_61 : memref<30522x768xf32, #tpu.memory_space<hbm>>) target(%arg7 : memref<80x768xf32, #tpu.memory_space<vmem>>) offsets(%dma_start3A_58 : memref<80xi32, #tpu.memory_space<vmem>>) semaphore(%arg9 : memref<!tpu.dma_semaphore, #tpu.memory_space<semaphore_mem>>)
      %mul3A_62 = arith.constant 80 : i32
      %mul3A_63 = arith.muli %mul3A_48, %mul3A_62 : i32
      %add3A_64 = arith.addi %mul3A_2, %mul3A_63 : i32
      %dma_start3A_65 = arith.constant 0 : i32
      %dma_start3A_66 = tpu.memref_slice %arg4[%add3A_64, %dma_start3A_65] : memref<25600x768xf32, #tpu.memory_space<hbm>> -> memref<80x768xf32, #tpu.memory_space<hbm>>
      %dma_start3A_67 = arith.constant 0 : i32
      %dma_start3A_68 = tpu.memref_slice %arg4[%add3A_64, %dma_start3A_67] : memref<25600x768xf32, #tpu.memory_space<hbm>> -> memref<80x768xf32, #tpu.memory_space<hbm>>
      tpu.enqueue_dma source(%arg6 : memref<80x768xf32, #tpu.memory_space<vmem>>) target(%dma_start3A_68 : memref<80x768xf32, #tpu.memory_space<hbm>>) target_semaphore(%arg10 : memref<!tpu.dma_semaphore, #tpu.memory_space<semaphore_mem>>)
      %dma_wait3A_69 = arith.constant 0 : i32
      %dma_wait3A_70 = tpu.memref_slice %arg5[%dma_wait3A_69] : memref<800xi32, #tpu.memory_space<vmem>> -> memref<80xi32, #tpu.memory_space<vmem>>
      %dma_wait3A_71 = arith.constant 0 : i32
      %dma_wait3A_72 = arith.constant 0 : i32
      %dma_wait3A_73 = tpu.memref_slice %arg3[%dma_wait3A_71, %dma_wait3A_72] : memref<30522x768xf32, #tpu.memory_space<hbm>> -> memref<30522x768xf32, #tpu.memory_space<hbm>>
      tpu.wait_indirect_dma semaphore(%arg9 : memref<!tpu.dma_semaphore, #tpu.memory_space<semaphore_mem>>) src(%dma_wait3A_73 : memref<30522x768xf32, #tpu.memory_space<hbm>>) dst(%arg7 : memref<80x768xf32, #tpu.memory_space<vmem>>)
      %dma_wait3A_74 = arith.constant 0 : i32
      %dma_wait3A_75 = tpu.memref_slice %arg4[%mul3A_2, %dma_wait3A_74] : memref<25600x768xf32, #tpu.memory_space<hbm>> -> memref<80x768xf32, #tpu.memory_space<hbm>>
      %dma_wait3A_76 = arith.constant 0 : i32
      %dma_wait3A_77 = tpu.memref_slice %arg4[%mul3A_2, %dma_wait3A_76] : memref<25600x768xf32, #tpu.memory_space<hbm>> -> memref<80x768xf32, #tpu.memory_space<hbm>>
      tpu.wait_dma2 semaphore(%arg10 : memref<!tpu.dma_semaphore, #tpu.memory_space<semaphore_mem>>) src(%arg6 : memref<80x768xf32, #tpu.memory_space<vmem>>) dst(%dma_wait3A_77 : memref<80x768xf32, #tpu.memory_space<hbm>>)
      %add3A_78 = arith.constant 2 : i32
      %add3A_79 = arith.addi %mul3A_48, %add3A_78 : i32
      %mul3A_80 = arith.constant 80 : i32
      %mul3A_81 = arith.muli %add3A_79, %mul3A_80 : i32
      %dma_start3A_82 = tpu.memref_slice %arg5[%mul3A_81] : memref<800xi32, #tpu.memory_space<vmem>> -> memref<80xi32, #tpu.memory_space<vmem>>
      %dma_start3A_83 = arith.constant 0 : i32
      %dma_start3A_84 = arith.constant 0 : i32
      %dma_start3A_85 = tpu.memref_slice %arg3[%dma_start3A_83, %dma_start3A_84] : memref<30522x768xf32, #tpu.memory_space<hbm>> -> memref<30522x768xf32, #tpu.memory_space<hbm>>
      tpu.enqueue_indirect_dma source(%dma_start3A_85 : memref<30522x768xf32, #tpu.memory_space<hbm>>) target(%arg6 : memref<80x768xf32, #tpu.memory_space<vmem>>) offsets(%dma_start3A_82 : memref<80xi32, #tpu.memory_space<vmem>>) semaphore(%arg8 : memref<!tpu.dma_semaphore, #tpu.memory_space<semaphore_mem>>)
      %add3A_86 = arith.constant 1 : i32
      %add3A_87 = arith.addi %mul3A_48, %add3A_86 : i32
      %mul3A_88 = arith.constant 80 : i32
      %mul3A_89 = arith.muli %add3A_87, %mul3A_88 : i32
      %add3A_90 = arith.addi %mul3A_2, %mul3A_89 : i32
      %dma_start3A_91 = arith.constant 0 : i32
      %dma_start3A_92 = tpu.memref_slice %arg4[%add3A_90, %dma_start3A_91] : memref<25600x768xf32, #tpu.memory_space<hbm>> -> memref<80x768xf32, #tpu.memory_space<hbm>>
      %dma_start3A_93 = arith.constant 0 : i32
      %dma_start3A_94 = tpu.memref_slice %arg4[%add3A_90, %dma_start3A_93] : memref<25600x768xf32, #tpu.memory_space<hbm>> -> memref<80x768xf32, #tpu.memory_space<hbm>>
      tpu.enqueue_dma source(%arg7 : memref<80x768xf32, #tpu.memory_space<vmem>>) target(%dma_start3A_94 : memref<80x768xf32, #tpu.memory_space<hbm>>) target_semaphore(%arg11 : memref<!tpu.dma_semaphore, #tpu.memory_space<semaphore_mem>>)
      %dma_wait3A_95 = arith.constant 0 : i32
      %dma_wait3A_96 = tpu.memref_slice %arg4[%mul3A_2, %dma_wait3A_95] : memref<25600x768xf32, #tpu.memory_space<hbm>> -> memref<80x768xf32, #tpu.memory_space<hbm>>
      %dma_wait3A_97 = arith.constant 0 : i32
      %dma_wait3A_98 = tpu.memref_slice %arg4[%mul3A_2, %dma_wait3A_97] : memref<25600x768xf32, #tpu.memory_space<hbm>> -> memref<80x768xf32, #tpu.memory_space<hbm>>
      tpu.wait_dma2 semaphore(%arg11 : memref<!tpu.dma_semaphore, #tpu.memory_space<semaphore_mem>>) src(%arg7 : memref<80x768xf32, #tpu.memory_space<vmem>>) dst(%dma_wait3A_98 : memref<80x768xf32, #tpu.memory_space<hbm>>)
    }
    %scan3A_11 = arith.constant 4 : i32
    %dma_wait3A = arith.constant 0 : i32
    %dma_wait3A_12 = tpu.memref_slice %arg5[%dma_wait3A] : memref<800xi32, #tpu.memory_space<vmem>> -> memref<80xi32, #tpu.memory_space<vmem>>
    %dma_wait3A_13 = arith.constant 0 : i32
    %dma_wait3A_14 = arith.constant 0 : i32
    %dma_wait3A_15 = tpu.memref_slice %arg3[%dma_wait3A_13, %dma_wait3A_14] : memref<30522x768xf32, #tpu.memory_space<hbm>> -> memref<30522x768xf32, #tpu.memory_space<hbm>>
    tpu.wait_indirect_dma semaphore(%arg8 : memref<!tpu.dma_semaphore, #tpu.memory_space<semaphore_mem>>) src(%dma_wait3A_15 : memref<30522x768xf32, #tpu.memory_space<hbm>>) dst(%arg6 : memref<80x768xf32, #tpu.memory_space<vmem>>)
    %dma_start3A_16 = arith.constant 720 : i32
    %dma_start3A_17 = tpu.memref_slice %arg5[%dma_start3A_16] : memref<800xi32, #tpu.memory_space<vmem>> -> memref<80xi32, #tpu.memory_space<vmem>>
    %dma_start3A_18 = arith.constant 0 : i32
    %dma_start3A_19 = arith.constant 0 : i32
    %dma_start3A_20 = tpu.memref_slice %arg3[%dma_start3A_18, %dma_start3A_19] : memref<30522x768xf32, #tpu.memory_space<hbm>> -> memref<30522x768xf32, #tpu.memory_space<hbm>>
    tpu.enqueue_indirect_dma source(%dma_start3A_20 : memref<30522x768xf32, #tpu.memory_space<hbm>>) target(%arg7 : memref<80x768xf32, #tpu.memory_space<vmem>>) offsets(%dma_start3A_17 : memref<80xi32, #tpu.memory_space<vmem>>) semaphore(%arg9 : memref<!tpu.dma_semaphore, #tpu.memory_space<semaphore_mem>>)
    %add3A_21 = arith.constant 640 : i32
    %add3A_22 = arith.addi %mul3A_2, %add3A_21 : i32
    %dma_start3A_23 = arith.constant 0 : i32
    %dma_start3A_24 = tpu.memref_slice %arg4[%add3A_22, %dma_start3A_23] : memref<25600x768xf32, #tpu.memory_space<hbm>> -> memref<80x768xf32, #tpu.memory_space<hbm>>
    %dma_start3A_25 = arith.constant 0 : i32
    %dma_start3A_26 = tpu.memref_slice %arg4[%add3A_22, %dma_start3A_25] : memref<25600x768xf32, #tpu.memory_space<hbm>> -> memref<80x768xf32, #tpu.memory_space<hbm>>
    tpu.enqueue_dma source(%arg6 : memref<80x768xf32, #tpu.memory_space<vmem>>) target(%dma_start3A_26 : memref<80x768xf32, #tpu.memory_space<hbm>>) target_semaphore(%arg10 : memref<!tpu.dma_semaphore, #tpu.memory_space<semaphore_mem>>)
    %dma_wait3A_27 = arith.constant 0 : i32
    %dma_wait3A_28 = tpu.memref_slice %arg5[%dma_wait3A_27] : memref<800xi32, #tpu.memory_space<vmem>> -> memref<80xi32, #tpu.memory_space<vmem>>
    %dma_wait3A_29 = arith.constant 0 : i32
    %dma_wait3A_30 = arith.constant 0 : i32
    %dma_wait3A_31 = tpu.memref_slice %arg3[%dma_wait3A_29, %dma_wait3A_30] : memref<30522x768xf32, #tpu.memory_space<hbm>> -> memref<30522x768xf32, #tpu.memory_space<hbm>>
    tpu.wait_indirect_dma semaphore(%arg9 : memref<!tpu.dma_semaphore, #tpu.memory_space<semaphore_mem>>) src(%dma_wait3A_31 : memref<30522x768xf32, #tpu.memory_space<hbm>>) dst(%arg7 : memref<80x768xf32, #tpu.memory_space<vmem>>)
    %dma_wait3A_32 = arith.constant 0 : i32
    %dma_wait3A_33 = tpu.memref_slice %arg4[%mul3A_2, %dma_wait3A_32] : memref<25600x768xf32, #tpu.memory_space<hbm>> -> memref<80x768xf32, #tpu.memory_space<hbm>>
    %dma_wait3A_34 = arith.constant 0 : i32
    %dma_wait3A_35 = tpu.memref_slice %arg4[%mul3A_2, %dma_wait3A_34] : memref<25600x768xf32, #tpu.memory_space<hbm>> -> memref<80x768xf32, #tpu.memory_space<hbm>>
    tpu.wait_dma2 semaphore(%arg10 : memref<!tpu.dma_semaphore, #tpu.memory_space<semaphore_mem>>) src(%arg6 : memref<80x768xf32, #tpu.memory_space<vmem>>) dst(%dma_wait3A_35 : memref<80x768xf32, #tpu.memory_space<hbm>>)
    %add3A_36 = arith.constant 720 : i32
    %add3A_37 = arith.addi %mul3A_2, %add3A_36 : i32
    %dma_start3A_38 = arith.constant 0 : i32
    %dma_start3A_39 = tpu.memref_slice %arg4[%add3A_37, %dma_start3A_38] : memref<25600x768xf32, #tpu.memory_space<hbm>> -> memref<80x768xf32, #tpu.memory_space<hbm>>
    %dma_start3A_40 = arith.constant 0 : i32
    %dma_start3A_41 = tpu.memref_slice %arg4[%add3A_37, %dma_start3A_40] : memref<25600x768xf32, #tpu.memory_space<hbm>> -> memref<80x768xf32, #tpu.memory_space<hbm>>
    tpu.enqueue_dma source(%arg7 : memref<80x768xf32, #tpu.memory_space<vmem>>) target(%dma_start3A_41 : memref<80x768xf32, #tpu.memory_space<hbm>>) target_semaphore(%arg11 : memref<!tpu.dma_semaphore, #tpu.memory_space<semaphore_mem>>)
    %dma_wait3A_42 = arith.constant 0 : i32
    %dma_wait3A_43 = tpu.memref_slice %arg4[%mul3A_2, %dma_wait3A_42] : memref<25600x768xf32, #tpu.memory_space<hbm>> -> memref<80x768xf32, #tpu.memory_space<hbm>>
    %dma_wait3A_44 = arith.constant 0 : i32
    %dma_wait3A_45 = tpu.memref_slice %arg4[%mul3A_2, %dma_wait3A_44] : memref<25600x768xf32, #tpu.memory_space<hbm>> -> memref<80x768xf32, #tpu.memory_space<hbm>>
    tpu.wait_dma2 semaphore(%arg11 : memref<!tpu.dma_semaphore, #tpu.memory_space<semaphore_mem>>) src(%arg7 : memref<80x768xf32, #tpu.memory_space<vmem>>) dst(%dma_wait3A_45 : memref<80x768xf32, #tpu.memory_space<hbm>>)
    return
  }
}

#map = affine_map<(d0, d1) -> (0)>
#map1 = affine_map<(d0, d1) -> (0, 0)>
module attributes {stable_mosaic.version = 14 : i64} {
  func.func @k(%arg0: i32, %arg1: i32, %arg2: memref<25600xi32, #tpu.memory_space<hbm>>, %arg3: memref<30522x768xf32, #tpu.memory_space<hbm>>, %arg4: memref<25600x768xf32, #tpu.memory_space<hbm>>, %arg5: memref<800xi32, #tpu.memory_space<vmem>>, %arg6: memref<80x768xf32, #tpu.memory_space<vmem>>, %arg7: memref<80x768xf32, #tpu.memory_space<vmem>>, %arg8: memref<!tpu.dma_semaphore, #tpu.memory_space<semaphore_mem>>, %arg9: memref<!tpu.dma_semaphore, #tpu.memory_space<semaphore_mem>>, %arg10: memref<!tpu.dma_semaphore, #tpu.memory_space<semaphore_mem>>, %arg11: memref<!tpu.dma_semaphore, #tpu.memory_space<semaphore_mem>>) attributes {dimension_semantics = [#tpu.dimension_semantics<core_parallel>, #tpu.dimension_semantics<subcore_parallel>], iteration_bounds = array<i64: 2, 16>, scalar_prefetch = 0 : i64, scratch_operands = 7 : i64, tpu.core_type = #tpu.core_type<sc_vector_subcore>, window_params = [{transform_indices = #map}, {transform_indices = #map1}, {transform_indices = #map1}]} {
    %mul3A = arith.constant 2 : i32
    %mul3A_0 = arith.muli %arg1, %mul3A : i32
    %add3A = arith.addi %mul3A_0, %arg0 : i32
    %mul3A_1 = arith.constant 800 : i32
    %mul3A_2 = arith.muli %add3A, %mul3A_1 : i32
    "tpu.region"() ({
      %run_scoped3A = tpu.sem_alloc : memref<!tpu.dma_semaphore, #tpu.memory_space<semaphore_mem>>
      %dma_start3A_46 = tpu.memref_slice %arg2[%mul3A_2] : memref<25600xi32, #tpu.memory_space<hbm>> -> memref<800xi32, #tpu.memory_space<hbm>>
      %dma_start3A_47 = tpu.memref_slice %arg2[%mul3A_2] : memref<25600xi32, #tpu.memory_space<hbm>> -> memref<800xi32, #tpu.memory_space<hbm>>
      tpu.enqueue_dma source(%dma_start3A_47 : memref<800xi32, #tpu.memory_space<hbm>>) target(%arg5 : memref<800xi32, #tpu.memory_space<vmem>>) target_semaphore(%run_scoped3A : memref<!tpu.dma_semaphore, #tpu.memory_space<semaphore_mem>>)
      %dma_wait3A_48 = tpu.memref_slice %arg2[%mul3A_2] : memref<25600xi32, #tpu.memory_space<hbm>> -> memref<800xi32, #tpu.memory_space<hbm>>
      %dma_wait3A_49 = tpu.memref_slice %arg2[%mul3A_2] : memref<25600xi32, #tpu.memory_space<hbm>> -> memref<800xi32, #tpu.memory_space<hbm>>
      tpu.wait_dma2 semaphore(%run_scoped3A : memref<!tpu.dma_semaphore, #tpu.memory_space<semaphore_mem>>) src(%dma_wait3A_49 : memref<800xi32, #tpu.memory_space<hbm>>) dst(%arg5 : memref<800xi32, #tpu.memory_space<vmem>>)
      tpu.yield
    }) : () -> ()
    %dma_start3A = arith.constant 0 : i32
    %dma_start3A_3 = tpu.memref_slice %arg5[%dma_start3A] : memref<800xi32, #tpu.memory_space<vmem>> -> memref<80xi32, #tpu.memory_space<vmem>>
    %dma_start3A_4 = arith.constant 0 : i32
    %dma_start3A_5 = arith.constant 0 : i32
    %dma_start3A_6 = tpu.memref_slice %arg3[%dma_start3A_4, %dma_start3A_5] : memref<30522x768xf32, #tpu.memory_space<hbm>> -> memref<30522x768xf32, #tpu.memory_space<hbm>>
    tpu.enqueue_indirect_dma source(%dma_start3A_6 : memref<30522x768xf32, #tpu.memory_space<hbm>>) target(%arg6 : memref<80x768xf32, #tpu.memory_space<vmem>>) offsets(%dma_start3A_3 : memref<80xi32, #tpu.memory_space<vmem>>) semaphore(%arg8 : memref<!tpu.dma_semaphore, #tpu.memory_space<semaphore_mem>>)
    %scan3A = arith.constant 0 : i32
    %scan3A_7 = arith.constant 0 : i32
    %scan3A_8 = arith.constant 4 : i32
    %scan3A_9 = arith.addi %scan3A_7, %scan3A_8 : i32
    %scan3A_10 = arith.constant 1 : i32
    scf.for %scan3A_46 = %scan3A_7 to %scan3A_9 step %scan3A_10  : i32 {
      %mul3A_47 = arith.constant 2 : i32
      %mul3A_48 = arith.muli %mul3A_47, %scan3A_46 : i32
      %dma_wait3A_49 = arith.constant 0 : i32
      %dma_wait3A_50 = tpu.memref_slice %arg5[%dma_wait3A_49] : memref<800xi32, #tpu.memory_space<vmem>> -> memref<80xi32, #tpu.memory_space<vmem>>
      %dma_wait3A_51 = arith.constant 0 : i32
      %dma_wait3A_52 = arith.constant 0 : i32
      %dma_wait3A_53 = tpu.memref_slice %arg3[%dma_wait3A_51, %dma_wait3A_52] : memref<30522x768xf32, #tpu.memory_space<hbm>> -> memref<30522x768xf32, #tpu.memory_space<hbm>>
      tpu.wait_indirect_dma semaphore(%arg8 : memref<!tpu.dma_semaphore, #tpu.memory_space<semaphore_mem>>) src(%dma_wait3A_53 : memref<30522x768xf32, #tpu.memory_space<hbm>>) dst(%arg6 : memref<80x768xf32, #tpu.memory_space<vmem>>)
      %add3A_54 = arith.constant 1 : i32
      %add3A_55 = arith.addi %mul3A_48, %add3A_54 : i32
      %mul3A_56 = arith.constant 80 : i32
      %mul3A_57 = arith.muli %add3A_55, %mul3A_56 : i32
      %dma_start3A_58 = tpu.memref_slice %arg5[%mul3A_57] : memref<800xi32, #tpu.memory_space<vmem>> -> memref<80xi32, #tpu.memory_space<vmem>>
      %dma_start3A_59 = arith.constant 0 : i32
      %dma_start3A_60 = arith.constant 0 : i32
      %dma_start3A_61 = tpu.memref_slice %arg3[%dma_start3A_59, %dma_start3A_60] : memref<30522x768xf32, #tpu.memory_space<hbm>> -> memref<30522x768xf32, #tpu.memory_space<hbm>>
      tpu.enqueue_indirect_dma source(%dma_start3A_61 : memref<30522x768xf32, #tpu.memory_space<hbm>>) target(%arg7 : memref<80x768xf32, #tpu.memory_space<vmem>>) offsets(%dma_start3A_58 : memref<80xi32, #tpu.memory_space<vmem>>) semaphore(%arg9 : memref<!tpu.dma_semaphore, #tpu.memory_space<semaphore_mem>>)
      %mul3A_62 = arith.constant 80 : i32
      %mul3A_63 = arith.muli %mul3A_48, %mul3A_62 : i32
      %add3A_64 = arith.addi %mul3A_2, %mul3A_63 : i32
      %dma_start3A_65 = arith.constant 0 : i32
      %dma_start3A_66 = tpu.memref_slice %arg4[%add3A_64, %dma_start3A_65] : memref<25600x768xf32, #tpu.memory_space<hbm>> -> memref<80x768xf32, #tpu.memory_space<hbm>>
      %dma_start3A_67 = arith.constant 0 : i32
      %dma_start3A_68 = tpu.memref_slice %arg4[%add3A_64, %dma_start3A_67] : memref<25600x768xf32, #tpu.memory_space<hbm>> -> memref<80x768xf32, #tpu.memory_space<hbm>>
      tpu.enqueue_dma source(%arg6 : memref<80x768xf32, #tpu.memory_space<vmem>>) target(%dma_start3A_68 : memref<80x768xf32, #tpu.memory_space<hbm>>) target_semaphore(%arg10 : memref<!tpu.dma_semaphore, #tpu.memory_space<semaphore_mem>>)
      %dma_wait3A_69 = arith.constant 0 : i32
      %dma_wait3A_70 = tpu.memref_slice %arg5[%dma_wait3A_69] : memref<800xi32, #tpu.memory_space<vmem>> -> memref<80xi32, #tpu.memory_space<vmem>>
      %dma_wait3A_71 = arith.constant 0 : i32
      %dma_wait3A_72 = arith.constant 0 : i32
      %dma_wait3A_73 = tpu.memref_slice %arg3[%dma_wait3A_71, %dma_wait3A_72] : memref<30522x768xf32, #tpu.memory_space<hbm>> -> memref<30522x768xf32, #tpu.memory_space<hbm>>
      tpu.wait_indirect_dma semaphore(%arg9 : memref<!tpu.dma_semaphore, #tpu.memory_space<semaphore_mem>>) src(%dma_wait3A_73 : memref<30522x768xf32, #tpu.memory_space<hbm>>) dst(%arg7 : memref<80x768xf32, #tpu.memory_space<vmem>>)
      %dma_wait3A_74 = arith.constant 0 : i32
      %dma_wait3A_75 = tpu.memref_slice %arg4[%mul3A_2, %dma_wait3A_74] : memref<25600x768xf32, #tpu.memory_space<hbm>> -> memref<80x768xf32, #tpu.memory_space<hbm>>
      %dma_wait3A_76 = arith.constant 0 : i32
      %dma_wait3A_77 = tpu.memref_slice %arg4[%mul3A_2, %dma_wait3A_76] : memref<25600x768xf32, #tpu.memory_space<hbm>> -> memref<80x768xf32, #tpu.memory_space<hbm>>
      tpu.wait_dma2 semaphore(%arg10 : memref<!tpu.dma_semaphore, #tpu.memory_space<semaphore_mem>>) src(%arg6 : memref<80x768xf32, #tpu.memory_space<vmem>>) dst(%dma_wait3A_77 : memref<80x768xf32, #tpu.memory_space<hbm>>)
      %add3A_78 = arith.constant 2 : i32
      %add3A_79 = arith.addi %mul3A_48, %add3A_78 : i32
      %mul3A_80 = arith.constant 80 : i32
      %mul3A_81 = arith.muli %add3A_79, %mul3A_80 : i32
      %dma_start3A_82 = tpu.memref_slice %arg5[%mul3A_81] : memref<800xi32, #tpu.memory_space<vmem>> -> memref<80xi32, #tpu.memory_space<vmem>>
      %dma_start3A_83 = arith.constant 0 : i32
      %dma_start3A_84 = arith.constant 0 : i32
      %dma_start3A_85 = tpu.memref_slice %arg3[%dma_start3A_83, %dma_start3A_84] : memref<30522x768xf32, #tpu.memory_space<hbm>> -> memref<30522x768xf32, #tpu.memory_space<hbm>>
      tpu.enqueue_indirect_dma source(%dma_start3A_85 : memref<30522x768xf32, #tpu.memory_space<hbm>>) target(%arg6 : memref<80x768xf32, #tpu.memory_space<vmem>>) offsets(%dma_start3A_82 : memref<80xi32, #tpu.memory_space<vmem>>) semaphore(%arg8 : memref<!tpu.dma_semaphore, #tpu.memory_space<semaphore_mem>>)
      %add3A_86 = arith.constant 1 : i32
      %add3A_87 = arith.addi %mul3A_48, %add3A_86 : i32
      %mul3A_88 = arith.constant 80 : i32
      %mul3A_89 = arith.muli %add3A_87, %mul3A_88 : i32
      %add3A_90 = arith.addi %mul3A_2, %mul3A_89 : i32
      %dma_start3A_91 = arith.constant 0 : i32
      %dma_start3A_92 = tpu.memref_slice %arg4[%add3A_90, %dma_start3A_91] : memref<25600x768xf32, #tpu.memory_space<hbm>> -> memref<80x768xf32, #tpu.memory_space<hbm>>
      %dma_start3A_93 = arith.constant 0 : i32
      %dma_start3A_94 = tpu.memref_slice %arg4[%add3A_90, %dma_start3A_93] : memref<25600x768xf32, #tpu.memory_space<hbm>> -> memref<80x768xf32, #tpu.memory_space<hbm>>
      tpu.enqueue_dma source(%arg7 : memref<80x768xf32, #tpu.memory_space<vmem>>) target(%dma_start3A_94 : memref<80x768xf32, #tpu.memory_space<hbm>>) target_semaphore(%arg11 : memref<!tpu.dma_semaphore, #tpu.memory_space<semaphore_mem>>)
      %dma_wait3A_95 = arith.constant 0 : i32
      %dma_wait3A_96 = tpu.memref_slice %arg4[%mul3A_2, %dma_wait3A_95] : memref<25600x768xf32, #tpu.memory_space<hbm>> -> memref<80x768xf32, #tpu.memory_space<hbm>>
      %dma_wait3A_97 = arith.constant 0 : i32
      %dma_wait3A_98 = tpu.memref_slice %arg4[%mul3A_2, %dma_wait3A_97] : memref<25600x768xf32, #tpu.memory_space<hbm>> -> memref<80x768xf32, #tpu.memory_space<hbm>>
      tpu.wait_dma2 semaphore(%arg11 : memref<!tpu.dma_semaphore, #tpu.memory_space<semaphore_mem>>) src(%arg7 : memref<80x768xf32, #tpu.memory_space<vmem>>) dst(%dma_wait3A_98 : memref<80x768xf32, #tpu.memory_space<hbm>>)
    }
    %scan3A_11 = arith.constant 4 : i32
    %dma_wait3A = arith.constant 0 : i32
    %dma_wait3A_12 = tpu.memref_slice %arg5[%dma_wait3A] : memref<800xi32, #tpu.memory_space<vmem>> -> memref<80xi32, #tpu.memory_space<vmem>>
    %dma_wait3A_13 = arith.constant 0 : i32
    %dma_wait3A_14 = arith.constant 0 : i32
    %dma_wait3A_15 = tpu.memref_slice %arg3[%dma_wait3A_13, %dma_wait3A_14] : memref<30522x768xf32, #tpu.memory_space<hbm>> -> memref<30522x768xf32, #tpu.memory_space<hbm>>
    tpu.wait_indirect_dma semaphore(%arg8 : memref<!tpu.dma_semaphore, #tpu.memory_space<semaphore_mem>>) src(%dma_wait3A_15 : memref<30522x768xf32, #tpu.memory_space<hbm>>) dst(%arg6 : memref<80x768xf32, #tpu.memory_space<vmem>>)
    %dma_start3A_16 = arith.constant 720 : i32
    %dma_start3A_17 = tpu.memref_slice %arg5[%dma_start3A_16] : memref<800xi32, #tpu.memory_space<vmem>> -> memref<80xi32, #tpu.memory_space<vmem>>
    %dma_start3A_18 = arith.constant 0 : i32
    %dma_start3A_19 = arith.constant 0 : i32
    %dma_start3A_20 = tpu.memref_slice %arg3[%dma_start3A_18, %dma_start3A_19] : memref<30522x768xf32, #tpu.memory_space<hbm>> -> memref<30522x768xf32, #tpu.memory_space<hbm>>
    tpu.enqueue_indirect_dma source(%dma_start3A_20 : memref<30522x768xf32, #tpu.memory_space<hbm>>) target(%arg7 : memref<80x768xf32, #tpu.memory_space<vmem>>) offsets(%dma_start3A_17 : memref<80xi32, #tpu.memory_space<vmem>>) semaphore(%arg9 : memref<!tpu.dma_semaphore, #tpu.memory_space<semaphore_mem>>)
    %add3A_21 = arith.constant 640 : i32
    %add3A_22 = arith.addi %mul3A_2, %add3A_21 : i32
    %dma_start3A_23 = arith.constant 0 : i32
    %dma_start3A_24 = tpu.memref_slice %arg4[%add3A_22, %dma_start3A_23] : memref<25600x768xf32, #tpu.memory_space<hbm>> -> memref<80x768xf32, #tpu.memory_space<hbm>>
    %dma_start3A_25 = arith.constant 0 : i32
    %dma_start3A_26 = tpu.memref_slice %arg4[%add3A_22, %dma_start3A_25] : memref<25600x768xf32, #tpu.memory_space<hbm>> -> memref<80x768xf32, #tpu.memory_space<hbm>>
    tpu.enqueue_dma source(%arg6 : memref<80x768xf32, #tpu.memory_space<vmem>>) target(%dma_start3A_26 : memref<80x768xf32, #tpu.memory_space<hbm>>) target_semaphore(%arg10 : memref<!tpu.dma_semaphore, #tpu.memory_space<semaphore_mem>>)
    %dma_wait3A_27 = arith.constant 0 : i32
    %dma_wait3A_28 = tpu.memref_slice %arg5[%dma_wait3A_27] : memref<800xi32, #tpu.memory_space<vmem>> -> memref<80xi32, #tpu.memory_space<vmem>>
    %dma_wait3A_29 = arith.constant 0 : i32
    %dma_wait3A_30 = arith.constant 0 : i32
    %dma_wait3A_31 = tpu.memref_slice %arg3[%dma_wait3A_29, %dma_wait3A_30] : memref<30522x768xf32, #tpu.memory_space<hbm>> -> memref<30522x768xf32, #tpu.memory_space<hbm>>
    tpu.wait_indirect_dma semaphore(%arg9 : memref<!tpu.dma_semaphore, #tpu.memory_space<semaphore_mem>>) src(%dma_wait3A_31 : memref<30522x768xf32, #tpu.memory_space<hbm>>) dst(%arg7 : memref<80x768xf32, #tpu.memory_space<vmem>>)
    %dma_wait3A_32 = arith.constant 0 : i32
    %dma_wait3A_33 = tpu.memref_slice %arg4[%mul3A_2, %dma_wait3A_32] : memref<25600x768xf32, #tpu.memory_space<hbm>> -> memref<80x768xf32, #tpu.memory_space<hbm>>
    %dma_wait3A_34 = arith.constant 0 : i32
    %dma_wait3A_35 = tpu.memref_slice %arg4[%mul3A_2, %dma_wait3A_34] : memref<25600x768xf32, #tpu.memory_space<hbm>> -> memref<80x768xf32, #tpu.memory_space<hbm>>
    tpu.wait_dma2 semaphore(%arg10 : memref<!tpu.dma_semaphore, #tpu.memory_space<semaphore_mem>>) src(%arg6 : memref<80x768xf32, #tpu.memory_space<vmem>>) dst(%dma_wait3A_35 : memref<80x768xf32, #tpu.memory_space<hbm>>)
    %add3A_36 = arith.constant 720 : i32
    %add3A_37 = arith.addi %mul3A_2, %add3A_36 : i32
    %dma_start3A_38 = arith.constant 0 : i32
    %dma_start3A_39 = tpu.memref_slice %arg4[%add3A_37, %dma_start3A_38] : memref<25600x768xf32, #tpu.memory_space<hbm>> -> memref<80x768xf32, #tpu.memory_space<hbm>>
    %dma_start3A_40 = arith.constant 0 : i32
    %dma_start3A_41 = tpu.memref_slice %arg4[%add3A_37, %dma_start3A_40] : memref<25600x768xf32, #tpu.memory_space<hbm>> -> memref<80x768xf32, #tpu.memory_space<hbm>>
    tpu.enqueue_dma source(%arg7 : memref<80x768xf32, #tpu.memory_space<vmem>>) target(%dma_start3A_41 : memref<80x768xf32, #tpu.memory_space<hbm>>) target_semaphore(%arg11 : memref<!tpu.dma_semaphore, #tpu.memory_space<semaphore_mem>>)
    %dma_wait3A_42 = arith.constant 0 : i32
    %dma_wait3A_43 = tpu.memref_slice %arg4[%mul3A_2, %dma_wait3A_42] : memref<25600x768xf32, #tpu.memory_space<hbm>> -> memref<80x768xf32, #tpu.memory_space<hbm>>
    %dma_wait3A_44 = arith.constant 0 : i32
    %dma_wait3A_45 = tpu.memref_slice %arg4[%mul3A_2, %dma_wait3A_44] : memref<25600x768xf32, #tpu.memory_space<hbm>> -> memref<80x768xf32, #tpu.memory_space<hbm>>
    tpu.wait_dma2 semaphore(%arg11 : memref<!tpu.dma_semaphore, #tpu.memory_space<semaphore_mem>>) src(%arg7 : memref<80x768xf32, #tpu.memory_space<vmem>>) dst(%dma_wait3A_45 : memref<80x768xf32, #tpu.memory_space<hbm>>)
    return
  }
}

module attributes {stable_mosaic.version = 14 : i64} {
  func.func @body_fn(%arg0: i32, %arg1: memref<1600x768xf32, #tpu.memory_space<vmem>>, %arg2: memref<8x200xf32, #tpu.memory_space<vmem>>, %arg3: memref<200x2048xf32, #tpu.memory_space<vmem>>, %arg4: memref<200x1xf32, #tpu.memory_space<vmem>>, %arg5: memref<200x768xf32, #tpu.memory_space<vmem>>, %arg6: memref<2x768xf32, #tpu.memory_space<vmem>>, %arg7: memref<2x768xf32, #tpu.memory_space<vmem>>, %arg8: memref<1x768xf32, #tpu.memory_space<vmem>>, %arg9: memref<768x2048xbf16, #tpu.memory_space<vmem>>, %arg10: memref<1x768xf32, #tpu.memory_space<vmem>>, %arg11: memref<1x768xf32, #tpu.memory_space<vmem>>, %arg12: memref<1x768xf32, #tpu.memory_space<vmem>>, %arg13: memref<8x225x768xf32, #tpu.memory_space<vmem>>) attributes {dimension_semantics = [#tpu.dimension_semantics<arbitrary>], iteration_bounds = array<i64: 16>, scalar_prefetch = 0 : i64, scratch_operands = 0 : i64, tpu.core_type = #tpu.core_type<tc>, window_params = [{transform_indices = @transform_0, window_bounds = array<i64: 1600, 768>}, {transform_indices = @transform_1, window_bounds = array<i64: 8, 200>}, {transform_indices = @transform_2, window_bounds = array<i64: 200, 2048>}, {transform_indices = @transform_3, window_bounds = array<i64: 200, 1>}, {pipeline_mode = #tpu.pipeline_mode<synchronous>, transform_indices = @transform_4, window_bounds = array<i64: 200, 768>}, {pipeline_mode = #tpu.pipeline_mode<synchronous>, transform_indices = @transform_5, window_bounds = array<i64: 2, 768>}, {pipeline_mode = #tpu.pipeline_mode<synchronous>, transform_indices = @transform_6, window_bounds = array<i64: 2, 768>}, {pipeline_mode = #tpu.pipeline_mode<synchronous>, transform_indices = @transform_7, window_bounds = array<i64: 1, 768>}, {pipeline_mode = #tpu.pipeline_mode<synchronous>, transform_indices = @transform_8, window_bounds = array<i64: 768, 2048>}, {pipeline_mode = #tpu.pipeline_mode<synchronous>, transform_indices = @transform_9, window_bounds = array<i64: 1, 768>}, {pipeline_mode = #tpu.pipeline_mode<synchronous>, transform_indices = @transform_10, window_bounds = array<i64: 1, 768>}, {pipeline_mode = #tpu.pipeline_mode<synchronous>, transform_indices = @transform_11, window_bounds = array<i64: 1, 768>}, {transform_indices = @transform_12, window_bounds = array<i64: 8, 225, 768>}]} {
    %get3A = arith.constant 0 : index
    %get3A_0 = arith.constant 0 : index
    %get3A_1 = vector.load %arg11[%get3A, %get3A_0] : memref<1x768xf32, #tpu.memory_space<vmem>>, vector<1x768xf32>
    %get3A_2 = vector.shape_cast %get3A_1 : vector<1x768xf32> to vector<768xf32>
    %get3A_3 = arith.constant 0 : index
    %get3A_4 = arith.constant 0 : index
    %get3A_5 = vector.load %arg12[%get3A_3, %get3A_4] : memref<1x768xf32, #tpu.memory_space<vmem>>, vector<1x768xf32>
    %get3A_6 = vector.shape_cast %get3A_5 : vector<1x768xf32> to vector<768xf32>
    %get3A_7 = arith.constant 0 : index
    %get3A_8 = arith.constant 0 : index
    %get3A_9 = vector.load %arg6[%get3A_7, %get3A_8] : memref<2x768xf32, #tpu.memory_space<vmem>>, vector<1x768xf32>
    %get3A_10 = vector.shape_cast %get3A_9 : vector<1x768xf32> to vector<768xf32>
    %get3A_11 = arith.constant 1 : index
    %get3A_12 = arith.constant 0 : index
    %get3A_13 = vector.load %arg6[%get3A_11, %get3A_12] : memref<2x768xf32, #tpu.memory_space<vmem>>, vector<1x768xf32>
    %get3A_14 = vector.shape_cast %get3A_13 : vector<1x768xf32> to vector<768xf32>
    %get3A_15 = arith.constant 0 : index
    %get3A_16 = arith.constant 0 : index
    %get3A_17 = vector.load %arg7[%get3A_15, %get3A_16] : memref<2x768xf32, #tpu.memory_space<vmem>>, vector<1x768xf32>
    %get3A_18 = vector.shape_cast %get3A_17 : vector<1x768xf32> to vector<768xf32>
    %get3A_19 = arith.constant 0 : index
    %get3A_20 = arith.constant 0 : index
    %get3A_21 = vector.load %arg8[%get3A_19, %get3A_20] : memref<1x768xf32, #tpu.memory_space<vmem>>, vector<1x768xf32>
    %get3A_22 = vector.shape_cast %get3A_21 : vector<1x768xf32> to vector<768xf32>
    %add3A = arith.addf %get3A_18, %get3A_22 : vector<768xf32>
    %get3A_23 = arith.constant 0 : index
    %get3A_24 = arith.constant 0 : index
    %get3A_25 = vector.load %arg10[%get3A_23, %get3A_24] : memref<1x768xf32, #tpu.memory_space<vmem>>, vector<1x768xf32>
    %get3A_26 = vector.shape_cast %get3A_25 : vector<1x768xf32> to vector<768xf32>
    %add3A_27 = arith.addf %add3A, %get3A_26 : vector<768xf32>
    %get3A_28 = arith.constant 1 : index
    %get3A_29 = arith.constant 0 : index
    %get3A_30 = vector.load %arg7[%get3A_28, %get3A_29] : memref<2x768xf32, #tpu.memory_space<vmem>>, vector<1x768xf32>
    %get3A_31 = vector.shape_cast %get3A_30 : vector<1x768xf32> to vector<768xf32>
    %get3A_32 = arith.constant 0 : index
    %get3A_33 = arith.constant 0 : index
    %get3A_34 = vector.load %arg8[%get3A_32, %get3A_33] : memref<1x768xf32, #tpu.memory_space<vmem>>, vector<1x768xf32>
    %get3A_35 = vector.shape_cast %get3A_34 : vector<1x768xf32> to vector<768xf32>
    %add3A_36 = arith.addf %get3A_31, %get3A_35 : vector<768xf32>
    %get3A_37 = arith.constant 0 : index
    %get3A_38 = arith.constant 0 : index
    %get3A_39 = vector.load %arg10[%get3A_37, %get3A_38] : memref<1x768xf32, #tpu.memory_space<vmem>>, vector<1x768xf32>
    %get3A_40 = vector.shape_cast %get3A_39 : vector<1x768xf32> to vector<768xf32>
    %add3A_41 = arith.addf %add3A_36, %get3A_40 : vector<768xf32>
    %get3A_42 = arith.constant 0 : index
    %get3A_43 = arith.constant 0 : index
    %get3A_44 = vector.load %arg5[%get3A_42, %get3A_43] : memref<200x768xf32, #tpu.memory_space<vmem>>, vector<200x768xf32>
    %broadcast_in_dim3A = vector.shape_cast %get3A_10 : vector<768xf32> to vector<1x768xf32>
    %add3A_45 = vector.broadcast %broadcast_in_dim3A : vector<1x768xf32> to vector<200x768xf32>
    %add3A_46 = arith.addf %get3A_44, %add3A_45 : vector<200x768xf32>
    %sub3A = arith.subf %get3A_14, %get3A_10 : vector<768xf32>
    %broadcast_in_dim3A_47 = vector.shape_cast %sub3A : vector<768xf32> to vector<1x1x768xf32>
    %get3A_48 = arith.constant 0 : index
    %get3A_49 = arith.constant 0 : index
    %get3A_50 = vector.load %arg1[%get3A_48, %get3A_49] : memref<1600x768xf32, #tpu.memory_space<vmem>>, vector<1600x768xf32>
    %reshape3A = vector.shape_cast %get3A_50 : vector<1600x768xf32> to vector<8x200x768xf32>
    %get3A_51 = arith.constant 0 : index
    %get3A_52 = arith.constant 0 : index
    %get3A_53 = vector.load %arg2[%get3A_51, %get3A_52] : memref<8x200xf32, #tpu.memory_space<vmem>>, vector<8x200xf32>
    %broadcast_in_dim3A_54 = vector.shape_cast %get3A_53 : vector<8x200xf32> to vector<8x200x1xf32>
    %broadcast_in_dim3A_55 = vector.shape_cast %add3A_46 : vector<200x768xf32> to vector<1x200x768xf32>
    %add3A_56 = vector.broadcast %broadcast_in_dim3A_55 : vector<1x200x768xf32> to vector<8x200x768xf32>
    %add3A_57 = arith.addf %reshape3A, %add3A_56 : vector<8x200x768xf32>
    %mul3A = vector.broadcast %broadcast_in_dim3A_54 : vector<8x200x1xf32> to vector<8x200x768xf32>
    %mul3A_58 = vector.broadcast %broadcast_in_dim3A_47 : vector<1x1x768xf32> to vector<8x200x768xf32>
    %mul3A_59 = arith.mulf %mul3A, %mul3A_58 : vector<8x200x768xf32>
    %add3A_60 = arith.addf %add3A_57, %mul3A_59 : vector<8x200x768xf32>
    %reduce_sum3A = arith.constant dense<0.000000e+00> : vector<8x200xf32>
    %reduce_sum3A_61 = vector.multi_reduction <add>, %add3A_60, %reduce_sum3A [2] : vector<8x200x768xf32> to vector<8x200xf32>
    %broadcast_in_dim3A_62 = vector.shape_cast %reduce_sum3A_61 : vector<8x200xf32> to vector<8x200x1xf32>
    %div3A = arith.constant 7.680000e+02 : f32
    %div3A_63 = vector.broadcast %div3A : f32 to vector<8x200x1xf32>
    %div3A_64 = arith.divf %broadcast_in_dim3A_62, %div3A_63 : vector<8x200x1xf32>
    %sub3A_65 = vector.broadcast %div3A_64 : vector<8x200x1xf32> to vector<8x200x768xf32>
    %sub3A_66 = arith.subf %add3A_60, %sub3A_65 : vector<8x200x768xf32>
    %mul3A_67 = arith.mulf %sub3A_66, %sub3A_66 : vector<8x200x768xf32>
    %reduce_sum3A_68 = arith.constant dense<0.000000e+00> : vector<8x200xf32>
    %reduce_sum3A_69 = vector.multi_reduction <add>, %mul3A_67, %reduce_sum3A_68 [2] : vector<8x200x768xf32> to vector<8x200xf32>
    %broadcast_in_dim3A_70 = vector.shape_cast %reduce_sum3A_69 : vector<8x200xf32> to vector<8x200x1xf32>
    %div3A_71 = arith.constant 7.680000e+02 : f32
    %div3A_72 = vector.broadcast %div3A_71 : f32 to vector<8x200x1xf32>
    %div3A_73 = arith.divf %broadcast_in_dim3A_70, %div3A_72 : vector<8x200x1xf32>
    %add3A_74 = arith.constant 9.99999996E-13 : f32
    %add3A_75 = vector.broadcast %add3A_74 : f32 to vector<8x200x1xf32>
    %add3A_76 = arith.addf %div3A_73, %add3A_75 : vector<8x200x1xf32>
    %rsqrt3A = math.rsqrt %add3A_76 : vector<8x200x1xf32>
    %mul3A_77 = vector.broadcast %rsqrt3A : vector<8x200x1xf32> to vector<8x200x768xf32>
    %mul3A_78 = arith.mulf %sub3A_66, %mul3A_77 : vector<8x200x768xf32>
    %broadcast_in_dim3A_79 = vector.shape_cast %get3A_2 : vector<768xf32> to vector<1x1x768xf32>
    %mul3A_80 = vector.broadcast %broadcast_in_dim3A_79 : vector<1x1x768xf32> to vector<8x200x768xf32>
    %mul3A_81 = arith.mulf %mul3A_78, %mul3A_80 : vector<8x200x768xf32>
    %broadcast_in_dim3A_82 = vector.shape_cast %get3A_6 : vector<768xf32> to vector<1x1x768xf32>
    %add3A_83 = vector.broadcast %broadcast_in_dim3A_82 : vector<1x1x768xf32> to vector<8x200x768xf32>
    %add3A_84 = arith.addf %mul3A_81, %add3A_83 : vector<8x200x768xf32>
    %swap3A = arith.constant 0 : index
    %swap3A_85 = arith.constant 0 : index
    %swap3A_86 = arith.constant 0 : index
    %swap3A_87 = vector.load %arg13[%swap3A, %swap3A_85, %swap3A_86] : memref<8x225x768xf32, #tpu.memory_space<vmem>>, vector<8x200x768xf32>
    tpu.vector_store %arg13[%swap3A, %swap3A_85, %swap3A_86], %add3A_84 {strides = array<i32>} : memref<8x225x768xf32, #tpu.memory_space<vmem>>, vector<8x200x768xf32>,
    %get3A_88 = arith.constant 0 : index
    %get3A_89 = arith.constant 0 : index
    %get3A_90 = vector.load %arg3[%get3A_88, %get3A_89] : memref<200x2048xf32, #tpu.memory_space<vmem>>, vector<200x2048xf32>
    %convert_element_type3A = arith.truncf %get3A_90 : vector<200x2048xf32> to vector<200x2048xbf16>
    %get3A_91 = arith.constant 0 : index
    %get3A_92 = arith.constant 0 : index
    %get3A_93 = vector.load %arg9[%get3A_91, %get3A_92] : memref<768x2048xbf16, #tpu.memory_space<vmem>>, vector<768x2048xbf16>
    %dot_general3A = arith.constant dense<0.000000e+00> : vector<200x768xf32>
    %dot_general3A_94 = tpu.matmul %convert_element_type3A, %get3A_93, %dot_general3A {dimension_numbers = #tpu.dot_dimension_numbers<[1], [1], [0], [0], [0, 0, 1, 0], [], []>, transpose_lhs_hint = false} : vector<200x2048xbf16>, vector<768x2048xbf16>, vector<200x768xf32> -> vector<200x768xf32>
    %get3A_95 = arith.constant 0 : index
    %get3A_96 = arith.constant 0 : index
    %get3A_97 = vector.load %arg4[%get3A_95, %get3A_96] : memref<200x1xf32, #tpu.memory_space<vmem>>, vector<200x1xf32>
    %broadcast_in_dim3A_98 = vector.shape_cast %add3A_27 : vector<768xf32> to vector<1x768xf32>
    %add3A_99 = vector.broadcast %broadcast_in_dim3A_98 : vector<1x768xf32> to vector<200x768xf32>
    %add3A_100 = arith.addf %dot_general3A_94, %add3A_99 : vector<200x768xf32>
    %sub3A_101 = arith.subf %add3A_41, %add3A_27 : vector<768xf32>
    %broadcast_in_dim3A_102 = vector.shape_cast %sub3A_101 : vector<768xf32> to vector<1x768xf32>
    %mul3A_103 = vector.broadcast %get3A_97 : vector<200x1xf32> to vector<200x768xf32>
    %mul3A_104 = vector.broadcast %broadcast_in_dim3A_102 : vector<1x768xf32> to vector<200x768xf32>
    %mul3A_105 = arith.mulf %mul3A_103, %mul3A_104 : vector<200x768xf32>
    %add3A_106 = arith.addf %add3A_100, %mul3A_105 : vector<200x768xf32>
    %reduce_sum3A_107 = arith.constant dense<0.000000e+00> : vector<200xf32>
    %reduce_sum3A_108 = vector.multi_reduction <add>, %add3A_106, %reduce_sum3A_107 [1] : vector<200x768xf32> to vector<200xf32>
    %broadcast_in_dim3A_109 = vector.shape_cast %reduce_sum3A_108 : vector<200xf32> to vector<200x1xf32>
    %div3A_110 = arith.constant 7.680000e+02 : f32
    %div3A_111 = vector.broadcast %div3A_110 : f32 to vector<200x1xf32>
    %div3A_112 = arith.divf %broadcast_in_dim3A_109, %div3A_111 : vector<200x1xf32>
    %sub3A_113 = vector.broadcast %div3A_112 : vector<200x1xf32> to vector<200x768xf32>
    %sub3A_114 = arith.subf %add3A_106, %sub3A_113 : vector<200x768xf32>
    %mul3A_115 = arith.mulf %sub3A_114, %sub3A_114 : vector<200x768xf32>
    %reduce_sum3A_116 = arith.constant dense<0.000000e+00> : vector<200xf32>
    %reduce_sum3A_117 = vector.multi_reduction <add>, %mul3A_115, %reduce_sum3A_116 [1] : vector<200x768xf32> to vector<200xf32>
    %broadcast_in_dim3A_118 = vector.shape_cast %reduce_sum3A_117 : vector<200xf32> to vector<200x1xf32>
    %div3A_119 = arith.constant 7.680000e+02 : f32
    %div3A_120 = vector.broadcast %div3A_119 : f32 to vector<200x1xf32>
    %div3A_121 = arith.divf %broadcast_in_dim3A_118, %div3A_120 : vector<200x1xf32>
    %add3A_122 = arith.constant 9.99999996E-13 : f32
    %add3A_123 = vector.broadcast %add3A_122 : f32 to vector<200x1xf32>
    %add3A_124 = arith.addf %div3A_121, %add3A_123 : vector<200x1xf32>
    %rsqrt3A_125 = math.rsqrt %add3A_124 : vector<200x1xf32>
    %mul3A_126 = vector.broadcast %rsqrt3A_125 : vector<200x1xf32> to vector<200x768xf32>
    %mul3A_127 = arith.mulf %sub3A_114, %mul3A_126 : vector<200x768xf32>
    %broadcast_in_dim3A_128 = vector.shape_cast %get3A_2 : vector<768xf32> to vector<1x768xf32>
    %mul3A_129 = vector.broadcast %broadcast_in_dim3A_128 : vector<1x768xf32> to vector<200x768xf32>
    %mul3A_130 = arith.mulf %mul3A_127, %mul3A_129 : vector<200x768xf32>
    %broadcast_in_dim3A_131 = vector.shape_cast %get3A_6 : vector<768xf32> to vector<1x768xf32>
    %add3A_132 = vector.broadcast %broadcast_in_dim3A_131 : vector<1x768xf32> to vector<200x768xf32>
    %add3A_133 = arith.addf %mul3A_130, %add3A_132 : vector<200x768xf32>
    %reshape3A_134 = vector.shape_cast %add3A_133 : vector<200x768xf32> to vector<8x25x768xf32>
    %swap3A_135 = arith.constant 0 : index
    %swap3A_136 = arith.constant 200 : index
    %swap3A_137 = arith.constant 0 : index
    %swap3A_138 = vector.load %arg13[%swap3A_135, %swap3A_136, %swap3A_137] : memref<8x225x768xf32, #tpu.memory_space<vmem>>, vector<8x25x768xf32>
    tpu.vector_store %arg13[%swap3A_135, %swap3A_136, %swap3A_137], %reshape3A_134 {strides = array<i32>} : memref<8x225x768xf32, #tpu.memory_space<vmem>>, vector<8x25x768xf32>,
    return
  }
  func.func @transform_0(%arg0: i32) -> (i32, i32) {
    %c0_i32 = arith.constant 0 : i32
    %c0_i32_0 = arith.constant 0 : i32
    return %arg0, %c0_i32 : i32, i32
  }
  func.func @transform_1(%arg0: i32) -> (i32, i32) {
    %add3A = arith.constant 0 : i32
    %add3A_0 = arith.addi %add3A, %arg0 : i32
    %c0_i32 = arith.constant 0 : i32
    %c0_i32_1 = arith.constant 0 : i32
    return %add3A_0, %c0_i32 : i32, i32
  }
  func.func @transform_2(%arg0: i32) -> (i32, i32) {
    %add3A = arith.constant 0 : i32
    %add3A_0 = arith.addi %add3A, %arg0 : i32
    %c0_i32 = arith.constant 0 : i32
    %c0_i32_1 = arith.constant 0 : i32
    return %add3A_0, %c0_i32 : i32, i32
  }
  func.func @transform_3(%arg0: i32) -> (i32, i32) {
    %add3A = arith.constant 0 : i32
    %add3A_0 = arith.addi %add3A, %arg0 : i32
    %c0_i32 = arith.constant 0 : i32
    %c0_i32_1 = arith.constant 0 : i32
    return %add3A_0, %c0_i32 : i32, i32
  }
  func.func @transform_4(%arg0: i32) -> (i32, i32) {
    %c0_i32 = arith.constant 0 : i32
    %c0_i32_0 = arith.constant 0 : i32
    %c0_i32_1 = arith.constant 0 : i32
    return %c0_i32, %c0_i32_0 : i32, i32
  }
  func.func @transform_5(%arg0: i32) -> (i32, i32) {
    %c0_i32 = arith.constant 0 : i32
    %c0_i32_0 = arith.constant 0 : i32
    %c0_i32_1 = arith.constant 0 : i32
    return %c0_i32, %c0_i32_0 : i32, i32
  }
  func.func @transform_6(%arg0: i32) -> (i32, i32) {
    %c0_i32 = arith.constant 0 : i32
    %c0_i32_0 = arith.constant 0 : i32
    %c0_i32_1 = arith.constant 0 : i32
    return %c0_i32, %c0_i32_0 : i32, i32
  }
  func.func @transform_7(%arg0: i32) -> (i32, i32) {
    %c0_i32 = arith.constant 0 : i32
    %c0_i32_0 = arith.constant 0 : i32
    %c0_i32_1 = arith.constant 0 : i32
    return %c0_i32, %c0_i32_0 : i32, i32
  }
  func.func @transform_8(%arg0: i32) -> (i32, i32) {
    %c0_i32 = arith.constant 0 : i32
    %c0_i32_0 = arith.constant 0 : i32
    %c0_i32_1 = arith.constant 0 : i32
    return %c0_i32, %c0_i32_0 : i32, i32
  }
  func.func @transform_9(%arg0: i32) -> (i32, i32) {
    %c0_i32 = arith.constant 0 : i32
    %c0_i32_0 = arith.constant 0 : i32
    %c0_i32_1 = arith.constant 0 : i32
    return %c0_i32, %c0_i32_0 : i32, i32
  }
  func.func @transform_10(%arg0: i32) -> (i32, i32) {
    %c0_i32 = arith.constant 0 : i32
    %c0_i32_0 = arith.constant 0 : i32
    %c0_i32_1 = arith.constant 0 : i32
    return %c0_i32, %c0_i32_0 : i32, i32
  }
  func.func @transform_11(%arg0: i32) -> (i32, i32) {
    %c0_i32 = arith.constant 0 : i32
    %c0_i32_0 = arith.constant 0 : i32
    %c0_i32_1 = arith.constant 0 : i32
    return %c0_i32, %c0_i32_0 : i32, i32
  }
  func.func @transform_12(%arg0: i32) -> (i32, i32, i32) {
    %add3A = arith.constant 0 : i32
    %add3A_0 = arith.addi %add3A, %arg0 : i32
    %c0_i32 = arith.constant 0 : i32
    %c0_i32_1 = arith.constant 0 : i32
    %c0_i32_2 = arith.constant 0 : i32
    return %add3A_0, %c0_i32, %c0_i32_1 : i32, i32, i32
  }
}

module attributes {stable_mosaic.version = 14 : i64} {
  func.func @body(%arg0: i32, %arg1: memref<256x225x768xf32, #tpu.memory_space<any>>, %arg2: memref<1600x768xf32, #tpu.memory_space<vmem>>, %arg3: memref<8x200xf32, #tpu.memory_space<vmem>>, %arg4: memref<200x2048xf32, #tpu.memory_space<vmem>>, %arg5: memref<200x1xf32, #tpu.memory_space<vmem>>, %arg6: memref<200x768xf32, #tpu.memory_space<vmem>>, %arg7: memref<2x768xf32, #tpu.memory_space<vmem>>, %arg8: memref<2x768xf32, #tpu.memory_space<vmem>>, %arg9: memref<1x768xf32, #tpu.memory_space<vmem>>, %arg10: memref<768x2048xbf16, #tpu.memory_space<vmem>>, %arg11: memref<1x768xf32, #tpu.memory_space<vmem>>, %arg12: memref<1x768xf32, #tpu.memory_space<vmem>>, %arg13: memref<1x768xf32, #tpu.memory_space<vmem>>, %arg14: memref<8x225x768xf32, #tpu.memory_space<vmem>>) attributes {dimension_semantics = [#tpu.dimension_semantics<arbitrary>], iteration_bounds = array<i64: 16>, scalar_prefetch = 0 : i64, scratch_operands = 0 : i64, tpu.core_type = #tpu.core_type<tc>, window_params = [{}, {transform_indices = @transform_1, window_bounds = array<i64: 1600, 768>}, {transform_indices = @transform_2, window_bounds = array<i64: 8, 200>}, {transform_indices = @transform_3, window_bounds = array<i64: 200, 2048>}, {transform_indices = @transform_4, window_bounds = array<i64: 200, 1>}, {pipeline_mode = #tpu.pipeline_mode<synchronous>, transform_indices = @transform_5, window_bounds = array<i64: 200, 768>}, {pipeline_mode = #tpu.pipeline_mode<synchronous>, transform_indices = @transform_6, window_bounds = array<i64: 2, 768>}, {pipeline_mode = #tpu.pipeline_mode<synchronous>, transform_indices = @transform_7, window_bounds = array<i64: 2, 768>}, {pipeline_mode = #tpu.pipeline_mode<synchronous>, transform_indices = @transform_8, window_bounds = array<i64: 1, 768>}, {pipeline_mode = #tpu.pipeline_mode<synchronous>, transform_indices = @transform_9, window_bounds = array<i64: 768, 2048>}, {pipeline_mode = #tpu.pipeline_mode<synchronous>, transform_indices = @transform_10, window_bounds = array<i64: 1, 768>}, {pipeline_mode = #tpu.pipeline_mode<synchronous>, transform_indices = @transform_11, window_bounds = array<i64: 1, 768>}, {pipeline_mode = #tpu.pipeline_mode<synchronous>, transform_indices = @transform_12, window_bounds = array<i64: 1, 768>}, {transform_indices = @transform_13, window_bounds = array<i64: 8, 225, 768>}]} {
    %get3A = arith.constant 0 : index
    %get3A_0 = arith.constant 0 : index
    %get3A_1 = vector.load %arg12[%get3A, %get3A_0] : memref<1x768xf32, #tpu.memory_space<vmem>>, vector<1x768xf32>
    %get3A_2 = vector.shape_cast %get3A_1 : vector<1x768xf32> to vector<768xf32>
    %get3A_3 = arith.constant 0 : index
    %get3A_4 = arith.constant 0 : index
    %get3A_5 = vector.load %arg13[%get3A_3, %get3A_4] : memref<1x768xf32, #tpu.memory_space<vmem>>, vector<1x768xf32>
    %get3A_6 = vector.shape_cast %get3A_5 : vector<1x768xf32> to vector<768xf32>
    %get3A_7 = arith.constant 0 : index
    %get3A_8 = arith.constant 0 : index
    %get3A_9 = vector.load %arg7[%get3A_7, %get3A_8] : memref<2x768xf32, #tpu.memory_space<vmem>>, vector<1x768xf32>
    %get3A_10 = vector.shape_cast %get3A_9 : vector<1x768xf32> to vector<768xf32>
    %get3A_11 = arith.constant 1 : index
    %get3A_12 = arith.constant 0 : index
    %get3A_13 = vector.load %arg7[%get3A_11, %get3A_12] : memref<2x768xf32, #tpu.memory_space<vmem>>, vector<1x768xf32>
    %get3A_14 = vector.shape_cast %get3A_13 : vector<1x768xf32> to vector<768xf32>
    %get3A_15 = arith.constant 0 : index
    %get3A_16 = arith.constant 0 : index
    %get3A_17 = vector.load %arg8[%get3A_15, %get3A_16] : memref<2x768xf32, #tpu.memory_space<vmem>>, vector<1x768xf32>
    %get3A_18 = vector.shape_cast %get3A_17 : vector<1x768xf32> to vector<768xf32>
    %get3A_19 = arith.constant 0 : index
    %get3A_20 = arith.constant 0 : index
    %get3A_21 = vector.load %arg9[%get3A_19, %get3A_20] : memref<1x768xf32, #tpu.memory_space<vmem>>, vector<1x768xf32>
    %get3A_22 = vector.shape_cast %get3A_21 : vector<1x768xf32> to vector<768xf32>
    %add3A = arith.addf %get3A_18, %get3A_22 : vector<768xf32>
    %get3A_23 = arith.constant 0 : index
    %get3A_24 = arith.constant 0 : index
    %get3A_25 = vector.load %arg11[%get3A_23, %get3A_24] : memref<1x768xf32, #tpu.memory_space<vmem>>, vector<1x768xf32>
    %get3A_26 = vector.shape_cast %get3A_25 : vector<1x768xf32> to vector<768xf32>
    %add3A_27 = arith.addf %add3A, %get3A_26 : vector<768xf32>
    %get3A_28 = arith.constant 1 : index
    %get3A_29 = arith.constant 0 : index
    %get3A_30 = vector.load %arg8[%get3A_28, %get3A_29] : memref<2x768xf32, #tpu.memory_space<vmem>>, vector<1x768xf32>
    %get3A_31 = vector.shape_cast %get3A_30 : vector<1x768xf32> to vector<768xf32>
    %get3A_32 = arith.constant 0 : index
    %get3A_33 = arith.constant 0 : index
    %get3A_34 = vector.load %arg9[%get3A_32, %get3A_33] : memref<1x768xf32, #tpu.memory_space<vmem>>, vector<1x768xf32>
    %get3A_35 = vector.shape_cast %get3A_34 : vector<1x768xf32> to vector<768xf32>
    %add3A_36 = arith.addf %get3A_31, %get3A_35 : vector<768xf32>
    %get3A_37 = arith.constant 0 : index
    %get3A_38 = arith.constant 0 : index
    %get3A_39 = vector.load %arg11[%get3A_37, %get3A_38] : memref<1x768xf32, #tpu.memory_space<vmem>>, vector<1x768xf32>
    %get3A_40 = vector.shape_cast %get3A_39 : vector<1x768xf32> to vector<768xf32>
    %add3A_41 = arith.addf %add3A_36, %get3A_40 : vector<768xf32>
    %get3A_42 = arith.constant 0 : index
    %get3A_43 = arith.constant 0 : index
    %get3A_44 = vector.load %arg6[%get3A_42, %get3A_43] : memref<200x768xf32, #tpu.memory_space<vmem>>, vector<200x768xf32>
    %broadcast_in_dim3A = vector.shape_cast %get3A_10 : vector<768xf32> to vector<1x768xf32>
    %add3A_45 = vector.broadcast %broadcast_in_dim3A : vector<1x768xf32> to vector<200x768xf32>
    %add3A_46 = arith.addf %get3A_44, %add3A_45 : vector<200x768xf32>
    %sub3A = arith.subf %get3A_14, %get3A_10 : vector<768xf32>
    %broadcast_in_dim3A_47 = vector.shape_cast %sub3A : vector<768xf32> to vector<1x1x768xf32>
    %get3A_48 = arith.constant 0 : index
    %get3A_49 = arith.constant 0 : index
    %get3A_50 = vector.load %arg2[%get3A_48, %get3A_49] : memref<1600x768xf32, #tpu.memory_space<vmem>>, vector<1600x768xf32>
    %reshape3A = vector.shape_cast %get3A_50 : vector<1600x768xf32> to vector<8x200x768xf32>
    %get3A_51 = arith.constant 0 : index
    %get3A_52 = arith.constant 0 : index
    %get3A_53 = vector.load %arg3[%get3A_51, %get3A_52] : memref<8x200xf32, #tpu.memory_space<vmem>>, vector<8x200xf32>
    %broadcast_in_dim3A_54 = vector.shape_cast %get3A_53 : vector<8x200xf32> to vector<8x200x1xf32>
    %broadcast_in_dim3A_55 = vector.shape_cast %add3A_46 : vector<200x768xf32> to vector<1x200x768xf32>
    %add3A_56 = vector.broadcast %broadcast_in_dim3A_55 : vector<1x200x768xf32> to vector<8x200x768xf32>
    %add3A_57 = arith.addf %reshape3A, %add3A_56 : vector<8x200x768xf32>
    %mul3A = vector.broadcast %broadcast_in_dim3A_54 : vector<8x200x1xf32> to vector<8x200x768xf32>
    %mul3A_58 = vector.broadcast %broadcast_in_dim3A_47 : vector<1x1x768xf32> to vector<8x200x768xf32>
    %mul3A_59 = arith.mulf %mul3A, %mul3A_58 : vector<8x200x768xf32>
    %add3A_60 = arith.addf %add3A_57, %mul3A_59 : vector<8x200x768xf32>
    %reduce_sum3A = arith.constant dense<0.000000e+00> : vector<8x200xf32>
    %reduce_sum3A_61 = vector.multi_reduction <add>, %add3A_60, %reduce_sum3A [2] : vector<8x200x768xf32> to vector<8x200xf32>
    %broadcast_in_dim3A_62 = vector.shape_cast %reduce_sum3A_61 : vector<8x200xf32> to vector<8x200x1xf32>
    %div3A = arith.constant 7.680000e+02 : f32
    %div3A_63 = vector.broadcast %div3A : f32 to vector<8x200x1xf32>
    %div3A_64 = arith.divf %broadcast_in_dim3A_62, %div3A_63 : vector<8x200x1xf32>
    %sub3A_65 = vector.broadcast %div3A_64 : vector<8x200x1xf32> to vector<8x200x768xf32>
    %sub3A_66 = arith.subf %add3A_60, %sub3A_65 : vector<8x200x768xf32>
    %mul3A_67 = arith.mulf %sub3A_66, %sub3A_66 : vector<8x200x768xf32>
    %reduce_sum3A_68 = arith.constant dense<0.000000e+00> : vector<8x200xf32>
    %reduce_sum3A_69 = vector.multi_reduction <add>, %mul3A_67, %reduce_sum3A_68 [2] : vector<8x200x768xf32> to vector<8x200xf32>
    %broadcast_in_dim3A_70 = vector.shape_cast %reduce_sum3A_69 : vector<8x200xf32> to vector<8x200x1xf32>
    %div3A_71 = arith.constant 7.680000e+02 : f32
    %div3A_72 = vector.broadcast %div3A_71 : f32 to vector<8x200x1xf32>
    %div3A_73 = arith.divf %broadcast_in_dim3A_70, %div3A_72 : vector<8x200x1xf32>
    %add3A_74 = arith.constant 9.99999996E-13 : f32
    %add3A_75 = vector.broadcast %add3A_74 : f32 to vector<8x200x1xf32>
    %add3A_76 = arith.addf %div3A_73, %add3A_75 : vector<8x200x1xf32>
    %rsqrt3A = math.rsqrt %add3A_76 : vector<8x200x1xf32>
    %mul3A_77 = vector.broadcast %rsqrt3A : vector<8x200x1xf32> to vector<8x200x768xf32>
    %mul3A_78 = arith.mulf %sub3A_66, %mul3A_77 : vector<8x200x768xf32>
    %broadcast_in_dim3A_79 = vector.shape_cast %get3A_2 : vector<768xf32> to vector<1x1x768xf32>
    %mul3A_80 = vector.broadcast %broadcast_in_dim3A_79 : vector<1x1x768xf32> to vector<8x200x768xf32>
    %mul3A_81 = arith.mulf %mul3A_78, %mul3A_80 : vector<8x200x768xf32>
    %broadcast_in_dim3A_82 = vector.shape_cast %get3A_6 : vector<768xf32> to vector<1x1x768xf32>
    %add3A_83 = vector.broadcast %broadcast_in_dim3A_82 : vector<1x1x768xf32> to vector<8x200x768xf32>
    %add3A_84 = arith.addf %mul3A_81, %add3A_83 : vector<8x200x768xf32>
    %swap3A = arith.constant 0 : index
    %swap3A_85 = arith.constant 0 : index
    %swap3A_86 = arith.constant 0 : index
    %swap3A_87 = vector.load %arg14[%swap3A, %swap3A_85, %swap3A_86] : memref<8x225x768xf32, #tpu.memory_space<vmem>>, vector<8x200x768xf32>
    tpu.vector_store %arg14[%swap3A, %swap3A_85, %swap3A_86], %add3A_84 {strides = array<i32>} : memref<8x225x768xf32, #tpu.memory_space<vmem>>, vector<8x200x768xf32>,
    %get3A_88 = arith.constant 0 : index
    %get3A_89 = arith.constant 0 : index
    %get3A_90 = vector.load %arg4[%get3A_88, %get3A_89] : memref<200x2048xf32, #tpu.memory_space<vmem>>, vector<200x2048xf32>
    %convert_element_type3A = arith.truncf %get3A_90 : vector<200x2048xf32> to vector<200x2048xbf16>
    %get3A_91 = arith.constant 0 : index
    %get3A_92 = arith.constant 0 : index
    %get3A_93 = vector.load %arg10[%get3A_91, %get3A_92] : memref<768x2048xbf16, #tpu.memory_space<vmem>>, vector<768x2048xbf16>
    %dot_general3A = arith.constant dense<0.000000e+00> : vector<200x768xf32>
    %dot_general3A_94 = tpu.matmul %convert_element_type3A, %get3A_93, %dot_general3A {dimension_numbers = #tpu.dot_dimension_numbers<[1], [1], [0], [0], [0, 0, 1, 0], [], []>, transpose_lhs_hint = false} : vector<200x2048xbf16>, vector<768x2048xbf16>, vector<200x768xf32> -> vector<200x768xf32>
    %get3A_95 = arith.constant 0 : index
    %get3A_96 = arith.constant 0 : index
    %get3A_97 = vector.load %arg5[%get3A_95, %get3A_96] : memref<200x1xf32, #tpu.memory_space<vmem>>, vector<200x1xf32>
    %broadcast_in_dim3A_98 = vector.shape_cast %add3A_27 : vector<768xf32> to vector<1x768xf32>
    %add3A_99 = vector.broadcast %broadcast_in_dim3A_98 : vector<1x768xf32> to vector<200x768xf32>
    %add3A_100 = arith.addf %dot_general3A_94, %add3A_99 : vector<200x768xf32>
    %sub3A_101 = arith.subf %add3A_41, %add3A_27 : vector<768xf32>
    %broadcast_in_dim3A_102 = vector.shape_cast %sub3A_101 : vector<768xf32> to vector<1x768xf32>
    %mul3A_103 = vector.broadcast %get3A_97 : vector<200x1xf32> to vector<200x768xf32>
    %mul3A_104 = vector.broadcast %broadcast_in_dim3A_102 : vector<1x768xf32> to vector<200x768xf32>
    %mul3A_105 = arith.mulf %mul3A_103, %mul3A_104 : vector<200x768xf32>
    %add3A_106 = arith.addf %add3A_100, %mul3A_105 : vector<200x768xf32>
    %reduce_sum3A_107 = arith.constant dense<0.000000e+00> : vector<200xf32>
    %reduce_sum3A_108 = vector.multi_reduction <add>, %add3A_106, %reduce_sum3A_107 [1] : vector<200x768xf32> to vector<200xf32>
    %broadcast_in_dim3A_109 = vector.shape_cast %reduce_sum3A_108 : vector<200xf32> to vector<200x1xf32>
    %div3A_110 = arith.constant 7.680000e+02 : f32
    %div3A_111 = vector.broadcast %div3A_110 : f32 to vector<200x1xf32>
    %div3A_112 = arith.divf %broadcast_in_dim3A_109, %div3A_111 : vector<200x1xf32>
    %sub3A_113 = vector.broadcast %div3A_112 : vector<200x1xf32> to vector<200x768xf32>
    %sub3A_114 = arith.subf %add3A_106, %sub3A_113 : vector<200x768xf32>
    %mul3A_115 = arith.mulf %sub3A_114, %sub3A_114 : vector<200x768xf32>
    %reduce_sum3A_116 = arith.constant dense<0.000000e+00> : vector<200xf32>
    %reduce_sum3A_117 = vector.multi_reduction <add>, %mul3A_115, %reduce_sum3A_116 [1] : vector<200x768xf32> to vector<200xf32>
    %broadcast_in_dim3A_118 = vector.shape_cast %reduce_sum3A_117 : vector<200xf32> to vector<200x1xf32>
    %div3A_119 = arith.constant 7.680000e+02 : f32
    %div3A_120 = vector.broadcast %div3A_119 : f32 to vector<200x1xf32>
    %div3A_121 = arith.divf %broadcast_in_dim3A_118, %div3A_120 : vector<200x1xf32>
    %add3A_122 = arith.constant 9.99999996E-13 : f32
    %add3A_123 = vector.broadcast %add3A_122 : f32 to vector<200x1xf32>
    %add3A_124 = arith.addf %div3A_121, %add3A_123 : vector<200x1xf32>
    %rsqrt3A_125 = math.rsqrt %add3A_124 : vector<200x1xf32>
    %mul3A_126 = vector.broadcast %rsqrt3A_125 : vector<200x1xf32> to vector<200x768xf32>
    %mul3A_127 = arith.mulf %sub3A_114, %mul3A_126 : vector<200x768xf32>
    %broadcast_in_dim3A_128 = vector.shape_cast %get3A_2 : vector<768xf32> to vector<1x768xf32>
    %mul3A_129 = vector.broadcast %broadcast_in_dim3A_128 : vector<1x768xf32> to vector<200x768xf32>
    %mul3A_130 = arith.mulf %mul3A_127, %mul3A_129 : vector<200x768xf32>
    %broadcast_in_dim3A_131 = vector.shape_cast %get3A_6 : vector<768xf32> to vector<1x768xf32>
    %add3A_132 = vector.broadcast %broadcast_in_dim3A_131 : vector<1x768xf32> to vector<200x768xf32>
    %add3A_133 = arith.addf %mul3A_130, %add3A_132 : vector<200x768xf32>
    %reshape3A_134 = vector.shape_cast %add3A_133 : vector<200x768xf32> to vector<8x25x768xf32>
    %swap3A_135 = arith.constant 0 : index
    %swap3A_136 = arith.constant 200 : index
    %swap3A_137 = arith.constant 0 : index
    %swap3A_138 = vector.load %arg14[%swap3A_135, %swap3A_136, %swap3A_137] : memref<8x225x768xf32, #tpu.memory_space<vmem>>, vector<8x25x768xf32>
    tpu.vector_store %arg14[%swap3A_135, %swap3A_136, %swap3A_137], %reshape3A_134 {strides = array<i32>} : memref<8x225x768xf32, #tpu.memory_space<vmem>>, vector<8x25x768xf32>,
    return
  }
  func.func @transform_1(%arg0: i32) -> (i32, i32) {
    %c0_i32 = arith.constant 0 : i32
    %c0_i32_0 = arith.constant 0 : i32
    return %arg0, %c0_i32 : i32, i32
  }
  func.func @transform_2(%arg0: i32) -> (i32, i32) {
    %add3A = arith.constant 16 : i32
    %add3A_0 = arith.addi %add3A, %arg0 : i32
    %c0_i32 = arith.constant 0 : i32
    %c0_i32_1 = arith.constant 0 : i32
    return %add3A_0, %c0_i32 : i32, i32
  }
  func.func @transform_3(%arg0: i32) -> (i32, i32) {
    %add3A = arith.constant 16 : i32
    %add3A_0 = arith.addi %add3A, %arg0 : i32
    %c0_i32 = arith.constant 0 : i32
    %c0_i32_1 = arith.constant 0 : i32
    return %add3A_0, %c0_i32 : i32, i32
  }
  func.func @transform_4(%arg0: i32) -> (i32, i32) {
    %add3A = arith.constant 16 : i32
    %add3A_0 = arith.addi %add3A, %arg0 : i32
    %c0_i32 = arith.constant 0 : i32
    %c0_i32_1 = arith.constant 0 : i32
    return %add3A_0, %c0_i32 : i32, i32
  }
  func.func @transform_5(%arg0: i32) -> (i32, i32) {
    %c0_i32 = arith.constant 0 : i32
    %c0_i32_0 = arith.constant 0 : i32
    %c0_i32_1 = arith.constant 0 : i32
    return %c0_i32, %c0_i32_0 : i32, i32
  }
  func.func @transform_6(%arg0: i32) -> (i32, i32) {
    %c0_i32 = arith.constant 0 : i32
    %c0_i32_0 = arith.constant 0 : i32
    %c0_i32_1 = arith.constant 0 : i32
    return %c0_i32, %c0_i32_0 : i32, i32
  }
  func.func @transform_7(%arg0: i32) -> (i32, i32) {
    %c0_i32 = arith.constant 0 : i32
    %c0_i32_0 = arith.constant 0 : i32
    %c0_i32_1 = arith.constant 0 : i32
    return %c0_i32, %c0_i32_0 : i32, i32
  }
  func.func @transform_8(%arg0: i32) -> (i32, i32) {
    %c0_i32 = arith.constant 0 : i32
    %c0_i32_0 = arith.constant 0 : i32
    %c0_i32_1 = arith.constant 0 : i32
    return %c0_i32, %c0_i32_0 : i32, i32
  }
  func.func @transform_9(%arg0: i32) -> (i32, i32) {
    %c0_i32 = arith.constant 0 : i32
    %c0_i32_0 = arith.constant 0 : i32
    %c0_i32_1 = arith.constant 0 : i32
    return %c0_i32, %c0_i32_0 : i32, i32
  }
  func.func @transform_10(%arg0: i32) -> (i32, i32) {
    %c0_i32 = arith.constant 0 : i32
    %c0_i32_0 = arith.constant 0 : i32
    %c0_i32_1 = arith.constant 0 : i32
    return %c0_i32, %c0_i32_0 : i32, i32
  }
  func.func @transform_11(%arg0: i32) -> (i32, i32) {
    %c0_i32 = arith.constant 0 : i32
    %c0_i32_0 = arith.constant 0 : i32
    %c0_i32_1 = arith.constant 0 : i32
    return %c0_i32, %c0_i32_0 : i32, i32
  }
  func.func @transform_12(%arg0: i32) -> (i32, i32) {
    %c0_i32 = arith.constant 0 : i32
    %c0_i32_0 = arith.constant 0 : i32
    %c0_i32_1 = arith.constant 0 : i32
    return %c0_i32, %c0_i32_0 : i32, i32
  }
  func.func @transform_13(%arg0: i32) -> (i32, i32, i32) {
    %add3A = arith.constant 16 : i32
    %add3A_0 = arith.addi %add3A, %arg0 : i32
    %c0_i32 = arith.constant 0 : i32
    %c0_i32_1 = arith.constant 0 : i32
    %c0_i32_2 = arith.constant 0 : i32
    return %add3A_0, %c0_i32, %c0_i32_1 : i32, i32, i32
  }
}

</mosaic_0001>

<sc_bundles>
// kernel: kernel.6.cloned.1.call-start
scs
__scs_entry_jumppad:
0x0: {  	(pc) =	sbr.rel $0x88, $3  }
0x1: {  	(tag) =	ssettag $0x0;
	lr =	simm.s32 $0x1  }
0x2: {  	[smem:$0x3F94] =	sst lr;
	_ =	strace $0xD0000000  }
0x3: {  	_ = 	snop  }
0x4: {  	_ = 	snop  }
0x5: {  	_ = 	snop  }
0x6: {  	_ = 	snop  }
0x7: {  	_ = 	snop  }
__scs_overlays_trampoline_lowered:
0x8: {  	[smem:$0x3FA3] =	sst s0  }
0x9: {  	[smem:$0x3FA4] =	sst s1  }
0xa: {  	[smem:$0x3FA5] =	sst s2  }
0xb: {  	[smem:$0x3FA6] =	sst s3  }
0xc: {  	[smem:$0x3FA7] =	sst s4  }
0xd: {  	[smem:$0x3FA8] =	sst s5  }
0xe: {  	[smem:$0x3FA9] =	sst s6  }
0xf: {  	[smem:$0x3FAA] =	sst s7  }
0x10: {  	[smem:$0x3FAB] =	sst s8  }
0x11: {  	[smem:$0x3FAC] =	sst s9;
	s0 =	simm.s32 @!p0 $0x0  }
0x12: {  	s1 =	sld [smem:$0x3F92];
	s0 =	simm.s32 @p0 $0x1  }
0x13: {  	[smem:$0x3FAD] =	sst s0;
	s0 =	simm.s32 @!p1 $0x0  }
0x14: {  	s2 =	sld [smem:$0x3F91];
	s0 =	simm.s32 @p1 $0x1  }
0x15: {  	[smem:$0x3FAE] =	sst s0;
	s0 =	simm.s32 @!p2 $0x0  }
0x16: {  	s3 =	sld [smem:$0x3FDB];
	s0 =	simm.s32 @p2 $0x1  }
0x17: {  	s4 =	simm.s32 $0x1BF5;
	[smem:$0x3FB0] =	sst s0  }
0x18: {  	s0 =	sld [smem:$0x3F93];
	_ =	swait.ge [sflag:s4], $0x0  }
0x19: {  	s7 =	sld [smem:$0x3F94]  }
0x1a: {  	s8 =	sadd.s32 $0xFFFFE003, lr  }
0x1b: {  	s9 =	sadd.s32 $0xFFFFFEF7, lr;
	s5 =	simm.s32 $0xFFFFFFFF;
	p2 =	slt.u32 s8, $0xFFFFF086  }
0x1c: {  	p1 =	slt.u32 s9, $0xF7A;
	s5 =	simm.s32 @!p2 $0x0  }
0x1d: {  	s5 =	simm.s32 @p1 $0x1;
	p0 =	seq.s32 s7, s2  }
0x1e: {  	s7 =	smul.u32 @!p0 $0xF7A, s2;
	p2 =	seq.s32 @!p0 s5, $0x0  }
0x1f: {  	s9 =	smul.u32 $0xF7A, s1;
	s8 =	simm.s32 @!p0 $0x1BF5;
	p2 =	por !p2, p0  }
0x20: {  	[sflag:s8] =	ssyncset.s32 @!p0 $0xFFFFF086;
	s6 =	sadd.s32 @!p0 s3, s7;
	s7 =	simm.s32 @!p0 $0x108  }
0x21: {  	s3 =	sadd.s32 s3, s9;
	s6 =	sadd.s32 @!p0 $0x88, s6;
	s7 =	simm.s32 @p2 $0x1082  }
0x22: {  	[simem:s7], [sflag:s8] =	dma.local @!p0 [hbm:s6], $0xF7A  }
0x23: {  	s9 =	sor.u32 $0xD0000000, s2;
	s6 =	simm.s32 $0x108;
	_ =	swait.ge @!p0 [sflag:s8], $0x0  }
0x24: {  	s3 =	sadd.s32 $0x88, s3;
	s6 =	simm.s32 @!p1 $0x1082;
	[sflag:s4] =	ssyncset.s32 $0xFFFFF086  }
0x25: {  	[simem:s6], [sflag:s4] =	dma.local [hbm:s3], $0xF7A  }
0x26: {  	[smem:$0x3F94] =	sst s1;
	(tag) =	ssettag s2;
	_ =	strace s9  }
0x27: {  	s1 =	sld [smem:$0x3FA4]  }
0x28: {  	s2 =	sld [smem:$0x3FA5]  }
0x29: {  	s4 =	sld [smem:$0x3FA7]  }
0x2a: {  	p0 =	seq.s32 s5, $0x0;
	s5 =	sld [smem:$0x3FA8]  }
0x2b: {  	s6 =	sld [smem:$0x3FA9]  }
0x2c: {  	s7 =	sld [smem:$0x3FAA]  }
0x2d: {  	s3 =	simm.s32 $0x108;
	s8 =	sld [smem:$0x3FAB]  }
0x2e: {  	s3 =	simm.s32 @!p0 $0x1082;
	s9 =	sld [smem:$0x3FAC]  }
0x2f: {  	lr =	sadd.s32 s0, s3;
	s0 =	sld [smem:$0x3FA3]  }
0x30: {  	s3 =	sld [smem:$0x3FA6]  }
0x31: {  	[smem:$0x3FAF] =	sst s10  }
0x32: {  	s10 =	sld [smem:$0x3FAD];
	_ =	sdelay $0x3  }
0x33: {  	p0 =	seq.s32 s10, $0x1;
	s10 =	sld [smem:$0x3FAF];
	_ =	sdelay $0x3  }
0x34: {  	[smem:$0x3FAF] =	sst s10  }
0x35: {  	s10 =	sld [smem:$0x3FAE];
	_ =	sdelay $0x3  }
0x36: {  	p1 =	seq.s32 s10, $0x1;
	s10 =	sld [smem:$0x3FAF];
	_ =	sdelay $0x3  }
0x37: {  	[smem:$0x3FAF] =	sst s10  }
0x38: {  	s10 =	sld [smem:$0x3FB0]  }
0x39: {  	_ = 	snop;
	(pc) =	sbr.ind lr, $3  }
0x3a: {  	_ = 	snop  }
0x3b: {  	_ = 	snop  }
0x3c: {  	p2 =	seq.s32 s10, $0x1;
	s10 =	sld [smem:$0x3FAF]  }
0x3d: {  	_ =	shalt  }
0x3e: {  	_ =	shalt  }
0x3f: {  	_ =	shalt  }
0x40: {  	_ =	shalt  }
0x41: {  	_ =	shalt  }
0x42: {  	_ =	shalt  }
0x43: {  	_ =	shalt  }
0x44: {  	_ =	shalt  }
0x45: {  	_ =	shalt  }
0x46: {  	_ =	shalt  }
0x47: {  	_ =	shalt  }
0x48: {  	_ =	shalt  }
0x49: {  	_ =	shalt  }
0x4a: {  	_ =	shalt  }
0x4b: {  	_ =	shalt  }
0x4c: {  	_ =	shalt  }
0x4d: {  	_ =	shalt  }
0x4e: {  	_ =	shalt  }
0x4f: {  	_ =	shalt  }
0x50: {  	_ =	shalt  }
0x51: {  	_ =	shalt  }
0x52: {  	_ =	shalt  }
0x53: {  	_ =	shalt  }
0x54: {  	_ =	shalt  }
0x55: {  	_ =	shalt  }
0x56: {  	_ =	shalt  }
0x57: {  	_ =	shalt  }
0x58: {  	_ =	shalt  }
0x59: {  	_ =	shalt  }
0x5a: {  	_ =	shalt  }
0x5b: {  	_ =	shalt  }
0x5c: {  	_ =	shalt  }
0x5d: {  	_ =	shalt  }
0x5e: {  	_ =	shalt  }
0x5f: {  	_ =	shalt  }
0x60: {  	_ =	shalt  }
0x61: {  	_ =	shalt  }
0x62: {  	_ =	shalt  }
0x63: {  	_ =	shalt  }
0x64: {  	_ =	shalt  }
0x65: {  	_ =	shalt  }
0x66: {  	_ =	shalt  }
0x67: {  	_ =	shalt  }
0x68: {  	_ =	shalt  }
0x69: {  	_ =	shalt  }
0x6a: {  	_ =	shalt  }
0x6b: {  	_ =	shalt  }
0x6c: {  	_ =	shalt  }
0x6d: {  	_ =	shalt  }
0x6e: {  	_ =	shalt  }
0x6f: {  	_ =	shalt  }
0x70: {  	_ =	shalt  }
0x71: {  	_ =	shalt  }
0x72: {  	_ =	shalt  }
0x73: {  	_ =	shalt  }
0x74: {  	_ =	shalt  }
0x75: {  	_ =	shalt  }
0x76: {  	_ =	shalt  }
0x77: {  	_ =	shalt  }
0x78: {  	_ =	shalt  }
0x79: {  	_ =	shalt  }
0x7a: {  	_ =	shalt  }
0x7b: {  	_ =	shalt  }
0x7c: {  	_ =	shalt  }
0x7d: {  	_ =	shalt  }
0x7e: {  	_ =	shalt  }
0x7f: {  	_ =	shalt  }
0x80: {  	_ =	shalt  }
0x81: {  	_ =	shalt  }
0x82: {  	_ =	shalt  }
0x83: {  	_ =	shalt  }
0x84: {  	_ =	shalt  }
0x85: {  	_ =	shalt  }
0x86: {  	_ =	shalt  }
0x87: {  	_ =	shalt  }
.Lfunc_end0:
.L_simem_size_0:
called_computation_lowered:
.L_overlay_start_0:
0x88: {  	s2 =	sld [smem:$0x3FD9]  }
0x89: {  	s3 =	sld [smem:$0x3FFE];
	_ =	sdelay $0x1  }
0x8a: {  	s1 =	srdreg.scid  }
0x8b: {  	s0 =	sand.u32 $0x1, s1  }
0x8c: {  	s17 =	sshll.u32 s0, $0xA;
	s2 =	sadd.s32 s3, s2  }
0x8d: {  	s2 =	sadd.s32 s2, s17  }
0x8e: {  	[smem:$0x3FBB] =	sst s2  }
0x8f: {  	_ = 	snop  }
0x90: {  	s2 =	sld [smem:$0x3FC5];
	(tm) =	ssettm $0x1  }
0x91: {  	s18 =	sld [smem:$0x3FFB];
	_ =	sdelay $0x3  }
0x92: {  	_ =	strace s18  }
0x93: {  	s3 =	sld [smem:$0x3FFC];
	_ =	sdelay $0x3  }
0x94: {  	_ =	strace s3  }
0x95: {  	s3 =	sld [smem:$0x3FFD];
	_ =	sdelay $0x3  }
0x96: {  	_ =	strace s3  }
0x97: {  	_ =	strace $0x8FFFFFFF  }
0x98: {  	s19 =	sld [smem:$0x3FDB];
	_ =	sdelay $0x1  }
0x99: {  	s4 =	simm.s32 $_scs_section_size  }
0x9a: {  	s5 =	simm.s32 $_size__tile_overlayer_lowered;
	s6 =	simm.s32 $_tile_overlayer_lowered  }
0x9b: {  	s22 =	simm.s32 $0x1BFF;
	s21 =	sshll.u32 s6, $0x1;
	s3 =	sadd.s32 s4, s19  }
0x9c: {  	s7 =	simm.s32 $0x0;
	s20 =	sshll.u32 s5, $0x1;
	s5 =	sadd.s32 s21, s3  }
0x9d: {  	[timem:s7], [sflag:s22] =	dma.local [hbm:s5], s20  }
0x9e: {  	_ =	swait.ge [sflag:s22], s20  }
0x9f: {  	s4 =	ssub.s32 $0x0, s20;
	[sflag:s22] =	ssyncset.done $0x0  }
0xa0: {  	[sflag:s22] =	ssyncadd.s32 s4;
	_ =	sdelay $0x1  }
0xa1: {  	s23 =	simm.s32 $0x1B8B  }
0xa2: {  	_ =	swait.ge [sflag:s23], $0x1  }
0xa3: {  	[sflag:s23] =	ssyncset.done $0x0  }
0xa4: {  	s25 =	simm.s32 $0x1B8E;
	s24 =	sld [smem:$0x3FFE];
	[sflag:s23] =	ssyncadd.s32 $0xFFFFFFFF  }
0xa5: {  	s26 =	simm.s32 $execute0_lowered;
	[smem:$0x3FD2] =	sst s25  }
0xa6: {  	s5 =	sshll.u32 s26, $0x1;
	_ =	strace $0x80000046;
	[dreg:$0x1] =	wrdreg $0xFFFFFFFF  }
0xa7: {  	s28 =	simm.s32 $_size_execute0_lowered;
	s3 =	sadd.s32 s3, s5;
	[dreg:$0x0] =	wrdreg $0x0  }
0xa8: {  	s5 =	sshll.u32 s28, $0x1;
	[dreg:$0x2] =	wrdreg s3  }
0xa9: {  	[dreg:$0x3] =	wrdreg s5  }
0xaa: {  	[dreg:$0x4] =	wrdreg $0xC0  }
0xab: {  	_ =	task [dreg:s7], $0x5FFFF  }
0xac: {  	[dreg:$0x1] =	wrdreg $0xFFFFFFFF  }
0xad: {  	[dreg:$0x0] =	wrdreg $0x60  }
0xae: {  	[dreg:$0x2] =	wrdreg s24  }
0xaf: {  	[dreg:$0x3] =	wrdreg s2  }
0xb0: {  	[dreg:$0x4] =	wrdreg $0x9  }
0xb1: {  	_ =	task.clear_ibuf [dreg:s7], $0x5FFFF;
	_ =	strace $0x90000046  }
0xb2: {  	s29 =	simm.s32 $0x9;
	_ =	strace $0x80000048  }
0xb3: {  	_ =	swait.ge [sflag:s29], $0x1  }
0xb4: {  	[sflag:s29] =	ssyncadd.s32 $0xFFFFFFFF  }
0xb5: {  	_ =	strace $0x90000048  }
0xb6: {  	_ =	sfence  }
0xb7: {  	s30 =	sld [smem:$0x0];
	_ =	sdelay $0x2  }
0xb8: {  	s31 =	sshll.u32 s1, $0xD;
	s1 =	sshrl.u32 s1, $0x2  }
0xb9: {  	s3 =	sand.u32 $0x4000, s31;
	s1 =	sadd.s32 s1, s30  }
0xba: {  	s0 =	sor.u32 s3, s0;
	s1 =	sshll.u32 s1, $0x11  }
0xbb: {  	s0 =	sor.u32 s1, s0  }
0xbc: {  	s0 =	sadd.s32 $0x8F2B, s0  }
0xbd: {  	[sflag:s0] =	ssyncadd.remote.s32 $0x1  }
0xbe: {  	_ =	sfence.sel $0xFFFF  }
0xbf: {  	[dreg:$0x0] =	wrdreg $0xFFFFFFFF;
	(pc) =	sbr.abs _section_cstart, $3  }
0xc0: {  	[dreg:$0x1] =	wrdreg $0xFFFFFFFF  }
0xc1: {  	_ =	task.clear_ibuf [dreg:s7], $0x2FFFF;
	_ =	strace $0x9FFFFFFF  }
0xc2: {  	(tm) =	ssettm $0x7FFFFFFF  }
0xc3: {  	_ =	shalt  }
tec
execute0_lowered:
.L_overlay_start_1:
0x0: {  	(tag) =	ssettag $0x1  }
0x1: {  	s0 =	srdreg.scid  }
0x2: {  	s3 =	stileid.u32;
	s4 =	rddreg [dreg:$0x0]  }
0x3: {  	s2 =	rddreg [dreg:$0x1];
	s16 =	simm.s32 $0x380;
	s28 =	simm.s32 $0x1380  }
0x4: {  	s29 =	simm.s32 $0x1B80;
	s10 =	simm.s32 $0x5380;
	s12 =	simm.s32 $0x5B80  }
0x5: {  	s13 =	simm.s32 $0x6380;
	s14 =	simm.s32 $0x6B80;
	s17 =	simm.s32 $0x7380  }
0x6: {  	s18 =	simm.s32 $0x7B80;
	s19 =	simm.s32 $0x8380;
	s20 =	simm.s32 $0x8B80  }
0x7: {  	s21 =	simm.s32 $0x9380;
	s11 =	simm.s32 $0x9B80;
	s31 =	simm.s32 $0xA380  }
0x8: {  	s30 =	simm.s32 $0xAB80;
	s15 =	simm.s32 $0x1;
	s22 =	simm.s32 $0x2  }
0x9: {  	s0 =	sand.u32 $0x1, s0;
	s1 =	sshll.u32 s3, $0x1;
	s5 =	smul.u32 $0x640, s3  }
0xa: {  	s3 =	simm.s32 $0x0;
	s1 =	sor.u32 s0, s1;
	s6 =	smul.u32 $0x320, s0  }
0xb: {  	[smem:$0x7FF] =	sst s3;
	s0 =	ssub.s32 $0x2, s0;
	s1 =	smul.u32 $0x320, s1  }
0xc: {  	_ =	strace $0x80000047;
	s8 =	sshrl.u32 s0, $0x1;
	s5 =	sadd.s32 s6, s5  }
0xd: {  	s0 =	ssub.s32 s0, s8;
	s1 =	sshrl.u32 s1, $0x3;
	s6 =	sadd.s32 $0x50, s5  }
0xe: {  	s24 =	sshrl.u32 s5, $0x3;
	s5 =	sadd.s32 $0x100, s2;
	s0 =	smax.u32 s0, $0x1  }
0xf: {  	s7 =	sadd.s32 s1, s4;
	s4 =	sadd.s32 $0x2800, s4;
	s1 =	smul.u32 $0x300, s1  }
0x10: {  	s6 =	sshrl.u32 s6, $0x3;
	s26 =	smul.u32 $0x300, s24;
	[dreg:$0x8] =	wrdreg s0  }
0x11: {  	s0 =	simm.s32 $0x2B80;
	s23 =	smul.u32 $0x300, s6;
	s25 =	sadd.s32 $0x1A00, s7  }
0x12: {  	[dreg:$0x5] =	wrdreg s25;
	s1 =	sadd.s32 s4, s1;
	s25 =	simm.s32 $0x0  }
0x13: {  	s24 =	simm.s32 $0x4;
	s9 =	sadd.s32 $0xF000, s1;
	[dreg:$0x9] =	wrdreg s25  }
0x14: {  	s6 =	sadd.s32 $0x200, s2;
	s8 =	sadd.s32 s23, s4;
	[dreg:$0x6] =	wrdreg s9  }
0x15: {  	s7 =	simm.s32 $0x3B80;
	s1 =	sadd.s32 $0x10E00, s1;
	[dreg:$0x3] =	wrdreg s8  }
0x16: {  	v2 =	vlaneseq.u32;
	s4 =	sadd.s32 s26, s4;
	s26 =	simm.s32 $0xB80;
	[dreg:$0x7] =	wrdreg s1  }
0x17: {  	vm0 =	vmmov $0xffff;
	v1 =	vshrl.u32 v2, $0x3;
	s23 =	simm.s32 $0x3;
	[dreg:$0x4] =	wrdreg s4;
	s1 =	simm.s32 $0x2380  }
0x18: {  	v0 =	vand.u32 $0x7, v2;
	v2 =	vor.u32 $0x8, v2;
	v1 =	vmul.u32 $0x8, v1;
	s4 =	simm.s32 $0x3380;
	s8 =	simm.s32 $0x4380;
	s9 =	simm.s32 $0x4B80  }
.LBB2_1:
0x19: {  	s25 =	rddreg [dreg:$0x5]  }
0x1a: {  	[tilespmem:s3], [sflag:$0x5] =	stream.linear.gather [hbm4b:s25+s3], $0x320, $0x38;
	[tilespmem:$0x1E380] =	vst v63  }
0x1b: {  	s25 =	simm.s32 $0x5  }
0x1c: {  	_ =	swait.ge [sflag:s25], $0x320  }
0x1d: {  	[sflag:s25] =	ssyncset.done $0x0  }
0x1e: {  	[sflag:s25] =	ssyncadd.s32 $0xFFFFFCE0  }
0x1f: {  	v3 =	vld [tilespmem:$0x0];
	_ =	sdelay $0x4  }
0x20: {  	v4 =	vshrl.u32 v3, $0x3  }
0x21: {  	v4 =	vmul.u32 $0x30, v4  }
0x22: {  	v3 =	vand.u32 $0x7, v3  }
0x23: {  	v3 =	vor.u32 v3, v4  }
0x24: {  	v4 =	vperm.xlane v3, v0;
	_ =	sdelay $0x1  }
0x25: {  	v4 =	vadd.s32 v1, v4;
	_ =	sdelay $0x3  }
0x26: {  	v3 =	vperm.xlane v3, v2  }
0x27: {  	[tilespmem:s16], [sflag:$0x1] =	stream.indirect_vreg.gather [hbm4b:s2+s3], $0x80, v4, vm0, $0xb8;
	[tilespmem:$0x1E380] =	vst v63  }
0x28: {  	v3 =	vadd.s32 v1, v3  }
0x29: {  	[tilespmem:s26], [sflag:$0x1] =	stream.indirect_vreg.gather [hbm4b:s5+s3], $0x80, v4, vm0, $0xb8;
	[tilespmem:$0x1E380] =	vst v63  }
0x2a: {  	_ = 	snop  }
0x2b: {  	[tilespmem:s28], [sflag:$0x1] =	stream.indirect_vreg.gather [hbm4b:s6+s3], $0x80, v4, vm0, $0xb8;
	[tilespmem:$0x1E380] =	vst v63  }
0x2c: {  	_ = 	snop  }
0x2d: {  	[tilespmem:s29], [sflag:$0x1] =	stream.indirect_vreg.gather [hbm4b:s2+s3], $0x80, v3, vm0, $0xb8;
	[tilespmem:$0x1E380] =	vst v63  }
0x2e: {  	_ = 	snop  }
0x2f: {  	[tilespmem:s1], [sflag:$0x1] =	stream.indirect_vreg.gather [hbm4b:s5+s3], $0x80, v3, vm0, $0xb8;
	[tilespmem:$0x1E380] =	vst v63  }
0x30: {  	_ = 	snop  }
0x31: {  	[tilespmem:s0], [sflag:$0x1] =	stream.indirect_vreg.gather [hbm4b:s6+s3], $0x80, v3, vm0, $0xb8;
	[tilespmem:$0x1E380] =	vst v63  }
0x32: {  	v3 =	vld [tilespmem:$0x10];
	_ =	sdelay $0x4  }
0x33: {  	v60 =	vshrl.u32 v3, $0x3  }
0x34: {  	v4 =	vmul.u32 $0x30, v60  }
0x35: {  	v3 =	vand.u32 $0x7, v3  }
0x36: {  	v3 =	vor.u32 v3, v4  }
0x37: {  	v4 =	vperm.xlane v3, v0;
	_ =	sdelay $0x1  }
0x38: {  	v4 =	vadd.s32 v1, v4;
	_ =	sdelay $0x3  }
0x39: {  	v3 =	vperm.xlane v3, v2  }
0x3a: {  	[tilespmem:s4], [sflag:$0x1] =	stream.indirect_vreg.gather [hbm4b:s2+s3], $0x80, v4, vm0, $0xb8;
	[tilespmem:$0x1E380] =	vst v63  }
0x3b: {  	v3 =	vadd.s32 v1, v3  }
0x3c: {  	[tilespmem:s7], [sflag:$0x1] =	stream.indirect_vreg.gather [hbm4b:s5+s3], $0x80, v4, vm0, $0xb8;
	[tilespmem:$0x1E380] =	vst v63  }
0x3d: {  	_ = 	snop  }
0x3e: {  	[tilespmem:s8], [sflag:$0x1] =	stream.indirect_vreg.gather [hbm4b:s6+s3], $0x80, v4, vm0, $0xb8;
	[tilespmem:$0x1E380] =	vst v63  }
0x3f: {  	_ = 	snop  }
0x40: {  	[tilespmem:s9], [sflag:$0x1] =	stream.indirect_vreg.gather [hbm4b:s2+s3], $0x80, v3, vm0, $0xb8;
	[tilespmem:$0x1E380] =	vst v63  }
0x41: {  	_ = 	snop  }
0x42: {  	[tilespmem:s10], [sflag:$0x1] =	stream.indirect_vreg.gather [hbm4b:s5+s3], $0x80, v3, vm0, $0xb8;
	[tilespmem:$0x1E380] =	vst v63  }
0x43: {  	_ = 	snop  }
0x44: {  	[tilespmem:s12], [sflag:$0x1] =	stream.indirect_vreg.gather [hbm4b:s6+s3], $0x80, v3, vm0, $0xb8;
	[tilespmem:$0x1E380] =	vst v63  }
0x45: {  	v3 =	vld [tilespmem:$0x20];
	_ =	sdelay $0x4  }
0x46: {  	v61 =	vshrl.u32 v3, $0x3  }
0x47: {  	v4 =	vmul.u32 $0x30, v61  }
0x48: {  	v3 =	vand.u32 $0x7, v3  }
0x49: {  	v3 =	vor.u32 v3, v4  }
0x4a: {  	v4 =	vperm.xlane v3, v0;
	_ =	sdelay $0x1  }
0x4b: {  	v4 =	vadd.s32 v1, v4;
	_ =	sdelay $0x3  }
0x4c: {  	v3 =	vperm.xlane v3, v2  }
0x4d: {  	[tilespmem:s13], [sflag:$0x1] =	stream.indirect_vreg.gather [hbm4b:s2+s3], $0x80, v4, vm0, $0xb8;
	[tilespmem:$0x1E380] =	vst v63  }
0x4e: {  	v3 =	vadd.s32 v1, v3  }
0x4f: {  	[tilespmem:s14], [sflag:$0x1] =	stream.indirect_vreg.gather [hbm4b:s5+s3], $0x80, v4, vm0, $0xb8;
	[tilespmem:$0x1E380] =	vst v63  }
0x50: {  	_ = 	snop  }
0x51: {  	[tilespmem:s17], [sflag:$0x1] =	stream.indirect_vreg.gather [hbm4b:s6+s3], $0x80, v4, vm0, $0xb8;
	[tilespmem:$0x1E380] =	vst v63  }
0x52: {  	_ = 	snop  }
0x53: {  	[tilespmem:s18], [sflag:$0x1] =	stream.indirect_vreg.gather [hbm4b:s2+s3], $0x80, v3, vm0, $0xb8;
	[tilespmem:$0x1E380] =	vst v63  }
0x54: {  	_ = 	snop  }
0x55: {  	[tilespmem:s19], [sflag:$0x1] =	stream.indirect_vreg.gather [hbm4b:s5+s3], $0x80, v3, vm0, $0xb8;
	[tilespmem:$0x1E380] =	vst v63  }
0x56: {  	_ = 	snop  }
0x57: {  	[tilespmem:s20], [sflag:$0x1] =	stream.indirect_vreg.gather [hbm4b:s6+s3], $0x80, v3, vm0, $0xb8;
	[tilespmem:$0x1E380] =	vst v63  }
0x58: {  	v3 =	vld [tilespmem:$0x30];
	_ =	sdelay $0x4  }
0x59: {  	v62 =	vshrl.u32 v3, $0x3  }
0x5a: {  	v4 =	vmul.u32 $0x30, v62  }
0x5b: {  	v3 =	vand.u32 $0x7, v3  }
0x5c: {  	v3 =	vor.u32 v3, v4  }
0x5d: {  	v4 =	vperm.xlane v3, v0;
	_ =	sdelay $0x1  }
0x5e: {  	v4 =	vadd.s32 v1, v4;
	_ =	sdelay $0x3  }
0x5f: {  	v3 =	vperm.xlane v3, v2  }
0x60: {  	[tilespmem:s21], [sflag:$0x1] =	stream.indirect_vreg.gather [hbm4b:s2+s3], $0x80, v4, vm0, $0xb8;
	[tilespmem:$0x1E380] =	vst v63  }
0x61: {  	v3 =	vadd.s32 v1, v3  }
0x62: {  	[tilespmem:s11], [sflag:$0x1] =	stream.indirect_vreg.gather [hbm4b:s5+s3], $0x80, v4, vm0, $0xb8;
	[tilespmem:$0x1E380] =	vst v63  }
0x63: {  	_ = 	snop  }
0x64: {  	[tilespmem:s31], [sflag:$0x1] =	stream.indirect_vreg.gather [hbm4b:s6+s3], $0x80, v4, vm0, $0xb8;
	[tilespmem:$0x1E380] =	vst v63  }
0x65: {  	_ = 	snop  }
0x66: {  	[tilespmem:s30], [sflag:$0x1] =	stream.indirect_vreg.gather [hbm4b:s2+s3], $0x80, v3, vm0, $0xb8;
	[tilespmem:$0x1E380] =	vst v63  }
0x67: {  	s20 =	simm.s32 $0xB380  }
0x68: {  	[tilespmem:s20], [sflag:$0x1] =	stream.indirect_vreg.gather [hbm4b:s5+s3], $0x80, v3, vm0, $0xb8;
	[tilespmem:$0x1E380] =	vst v63  }
0x69: {  	s21 =	simm.s32 $0xBB80  }
0x6a: {  	[tilespmem:s21], [sflag:$0x1] =	stream.indirect_vreg.gather [hbm4b:s6+s3], $0x80, v3, vm0, $0xb8;
	[tilespmem:$0x1E380] =	vst v63  }
0x6b: {  	v3 =	vld [tilespmem:$0x40];
	_ =	sdelay $0x4  }
0x6c: {  	v63 =	vshrl.u32 v3, $0x3  }
0x6d: {  	v4 =	vmul.u32 $0x30, v63  }
0x6e: {  	v3 =	vand.u32 $0x7, v3  }
0x6f: {  	v3 =	vor.u32 v3, v4  }
0x70: {  	v4 =	vperm.xlane v3, v0;
	_ =	sdelay $0x1  }
0x71: {  	v4 =	vadd.s32 v1, v4;
	_ =	sdelay $0x1  }
0x72: {  	s25 =	simm.s32 $0xC380;
	s26 =	simm.s32 $0xCB80  }
0x73: {  	s28 =	simm.s32 $0xF380;
	s29 =	simm.s32 $0xAB80;
	s0 =	simm.s32 $0xE380  }
0x74: {  	s4 =	simm.s32 $0xEB80;
	s7 =	simm.s32 $0x3B80;
	s8 =	simm.s32 $0x4380;
	v3 =	vperm.xlane v3, v2  }
0x75: {  	[tilespmem:s25], [sflag:$0x1] =	stream.indirect_vreg.gather [hbm4b:s2+s3], $0x80, v4, vm0, $0xb8;
	[tilespmem:$0x1E380] =	vst v63  }
0x76: {  	s9 =	simm.s32 $0x4B80;
	s10 =	simm.s32 $0x5380;
	s12 =	simm.s32 $0x5B80;
	v3 =	vadd.s32 v1, v3  }
0x77: {  	[tilespmem:s26], [sflag:$0x1] =	stream.indirect_vreg.gather [hbm4b:s5+s3], $0x80, v4, vm0, $0xb8;
	[tilespmem:$0x1E380] =	vst v63  }
0x78: {  	s13 =	simm.s32 $0x6380;
	s14 =	simm.s32 $0x6B80;
	s31 =	simm.s32 $0xD380  }
0x79: {  	[tilespmem:s31], [sflag:$0x1] =	stream.indirect_vreg.gather [hbm4b:s6+s3], $0x80, v4, vm0, $0xb8;
	[tilespmem:$0x1E380] =	vst v63  }
0x7a: {  	s17 =	simm.s32 $0x7380;
	s18 =	simm.s32 $0x7B80;
	s30 =	simm.s32 $0xDB80  }
0x7b: {  	[tilespmem:s30], [sflag:$0x1] =	stream.indirect_vreg.gather [hbm4b:s2+s3], $0x80, v3, vm0, $0xb8;
	[tilespmem:$0x1E380] =	vst v63  }
0x7c: {  	s19 =	simm.s32 $0x8380;
	s11 =	simm.s32 $0x9B80;
	s20 =	simm.s32 $0x8B80  }
0x7d: {  	[tilespmem:s0], [sflag:$0x1] =	stream.indirect_vreg.gather [hbm4b:s5+s3], $0x80, v3, vm0, $0xb8;
	[tilespmem:$0x1E380] =	vst v63  }
0x7e: {  	s21 =	simm.s32 $0x9380;
	s25 =	simm.s32 $0x70;
	s26 =	simm.s32 $0x0  }
0x7f: {  	[tilespmem:s4], [sflag:$0x1] =	stream.indirect_vreg.gather [hbm4b:s6+s3], $0x80, v3, vm0, $0xb8;
	[tilespmem:$0x1E380] =	vst v63  }
.LBB2_2:
0x80: {  	_ =	swait.ge [sflag:s15], $0xF000  }
0x81: {  	[sflag:s15] =	ssyncset.done $0x0  }
0x82: {  	[sflag:s15] =	ssyncadd.s32 $0xFFFF1000  }
0x83: {  	v3 =	vld [tilespmem:s25+$0xFFFFFFE0];
	_ =	sdelay $0x4  }
0x84: {  	v4 =	vshrl.u32 v3, $0x3  }
0x85: {  	v4 =	vmul.u32 $0x30, v4  }
0x86: {  	v3 =	vand.u32 $0x7, v3  }
0x87: {  	v3 =	vor.u32 v3, v4  }
0x88: {  	v4 =	vperm.xlane v3, v0;
	_ =	sdelay $0x1  }
0x89: {  	v4 =	vadd.s32 v1, v4;
	_ =	sdelay $0x3  }
0x8a: {  	v3 =	vperm.xlane v3, v2  }
0x8b: {  	[tilespmem:s28], [sflag:$0x2] =	stream.indirect_vreg.gather [hbm4b:s2+s3], $0x80, v4, vm0, $0xb8;
	[tilespmem:$0x1E380] =	vst v63  }
0x8c: {  	s1 =	simm.s32 $0xFB80;
	v3 =	vadd.s32 v1, v3  }
0x8d: {  	[tilespmem:s1], [sflag:$0x2] =	stream.indirect_vreg.gather [hbm4b:s5+s3], $0x80, v4, vm0, $0xb8;
	[tilespmem:$0x1E380] =	vst v63  }
0x8e: {  	s16 =	simm.s32 $0x10380  }
0x8f: {  	[tilespmem:s16], [sflag:$0x2] =	stream.indirect_vreg.gather [hbm4b:s6+s3], $0x80, v4, vm0, $0xb8;
	[tilespmem:$0x1E380] =	vst v63  }
0x90: {  	s16 =	simm.s32 $0x10B80  }
0x91: {  	[tilespmem:s16], [sflag:$0x2] =	stream.indirect_vreg.gather [hbm4b:s2+s3], $0x80, v3, vm0, $0xb8;
	[tilespmem:$0x1E380] =	vst v63  }
0x92: {  	s16 =	simm.s32 $0x11380  }
0x93: {  	[tilespmem:s16], [sflag:$0x2] =	stream.indirect_vreg.gather [hbm4b:s5+s3], $0x80, v3, vm0, $0xb8;
	[tilespmem:$0x1E380] =	vst v63  }
0x94: {  	s16 =	simm.s32 $0x11B80  }
0x95: {  	[tilespmem:s16], [sflag:$0x2] =	stream.indirect_vreg.gather [hbm4b:s6+s3], $0x80, v3, vm0, $0xb8;
	[tilespmem:$0x1E380] =	vst v63  }
0x96: {  	v3 =	vld [tilespmem:s25+$0xFFFFFFF0];
	_ =	sdelay $0x4  }
0x97: {  	v55 =	vshrl.u32 v3, $0x3  }
0x98: {  	v4 =	vmul.u32 $0x30, v55  }
0x99: {  	v3 =	vand.u32 $0x7, v3  }
0x9a: {  	v3 =	vor.u32 v3, v4  }
0x9b: {  	v4 =	vperm.xlane v3, v0;
	_ =	sdelay $0x1  }
0x9c: {  	v4 =	vadd.s32 v1, v4;
	_ =	sdelay $0x3  }
0x9d: {  	s16 =	simm.s32 $0x12380;
	v3 =	vperm.xlane v3, v2  }
0x9e: {  	[tilespmem:s16], [sflag:$0x2] =	stream.indirect_vreg.gather [hbm4b:s2+s3], $0x80, v4, vm0, $0xb8;
	[tilespmem:$0x1E380] =	vst v63  }
0x9f: {  	v3 =	vadd.s32 v1, v3;
	s16 =	simm.s32 $0x12B80  }
0xa0: {  	[tilespmem:s16], [sflag:$0x2] =	stream.indirect_vreg.gather [hbm4b:s5+s3], $0x80, v4, vm0, $0xb8;
	[tilespmem:$0x1E380] =	vst v63  }
0xa1: {  	s16 =	simm.s32 $0x13380  }
0xa2: {  	[tilespmem:s16], [sflag:$0x2] =	stream.indirect_vreg.gather [hbm4b:s6+s3], $0x80, v4, vm0, $0xb8;
	[tilespmem:$0x1E380] =	vst v63  }
0xa3: {  	s16 =	simm.s32 $0x13B80  }
0xa4: {  	[tilespmem:s16], [sflag:$0x2] =	stream.indirect_vreg.gather [hbm4b:s2+s3], $0x80, v3, vm0, $0xb8;
	[tilespmem:$0x1E380] =	vst v63  }
0xa5: {  	s16 =	simm.s32 $0x14380  }
0xa6: {  	[tilespmem:s16], [sflag:$0x2] =	stream.indirect_vreg.gather [hbm4b:s5+s3], $0x80, v3, vm0, $0xb8;
	[tilespmem:$0x1E380] =	vst v63  }
0xa7: {  	s16 =	simm.s32 $0x14B80  }
0xa8: {  	[tilespmem:s16], [sflag:$0x2] =	stream.indirect_vreg.gather [hbm4b:s6+s3], $0x80, v3, vm0, $0xb8;
	[tilespmem:$0x1E380] =	vst v63  }
0xa9: {  	v3 =	vld [tilespmem:s25+$0x0];
	_ =	sdelay $0x4  }
0xaa: {  	v56 =	vshrl.u32 v3, $0x3  }
0xab: {  	v4 =	vmul.u32 $0x30, v56  }
0xac: {  	v3 =	vand.u32 $0x7, v3  }
0xad: {  	v3 =	vor.u32 v3, v4  }
0xae: {  	v4 =	vperm.xlane v3, v0;
	_ =	sdelay $0x1  }
0xaf: {  	v4 =	vadd.s32 v1, v4;
	_ =	sdelay $0x3  }
0xb0: {  	s16 =	simm.s32 $0x15380;
	v3 =	vperm.xlane v3, v2  }
0xb1: {  	[tilespmem:s16], [sflag:$0x2] =	stream.indirect_vreg.gather [hbm4b:s2+s3], $0x80, v4, vm0, $0xb8;
	[tilespmem:$0x1E380] =	vst v63  }
0xb2: {  	v3 =	vadd.s32 v1, v3;
	s16 =	simm.s32 $0x15B80  }
0xb3: {  	[tilespmem:s16], [sflag:$0x2] =	stream.indirect_vreg.gather [hbm4b:s5+s3], $0x80, v4, vm0, $0xb8;
	[tilespmem:$0x1E380] =	vst v63  }
0xb4: {  	s16 =	simm.s32 $0x16380  }
0xb5: {  	[tilespmem:s16], [sflag:$0x2] =	stream.indirect_vreg.gather [hbm4b:s6+s3], $0x80, v4, vm0, $0xb8;
	[tilespmem:$0x1E380] =	vst v63  }
0xb6: {  	s16 =	simm.s32 $0x16B80  }
0xb7: {  	[tilespmem:s16], [sflag:$0x2] =	stream.indirect_vreg.gather [hbm4b:s2+s3], $0x80, v3, vm0, $0xb8;
	[tilespmem:$0x1E380] =	vst v63  }
0xb8: {  	s16 =	simm.s32 $0x17380  }
0xb9: {  	[tilespmem:s16], [sflag:$0x2] =	stream.indirect_vreg.gather [hbm4b:s5+s3], $0x80, v3, vm0, $0xb8;
	[tilespmem:$0x1E380] =	vst v63  }
0xba: {  	s16 =	simm.s32 $0x17B80  }
0xbb: {  	[tilespmem:s16], [sflag:$0x2] =	stream.indirect_vreg.gather [hbm4b:s6+s3], $0x80, v3, vm0, $0xb8;
	[tilespmem:$0x1E380] =	vst v63  }
0xbc: {  	v3 =	vld [tilespmem:s25+$0x10];
	_ =	sdelay $0x4  }
0xbd: {  	v57 =	vshrl.u32 v3, $0x3  }
0xbe: {  	v4 =	vmul.u32 $0x30, v57  }
0xbf: {  	v3 =	vand.u32 $0x7, v3  }
0xc0: {  	v3 =	vor.u32 v3, v4  }
0xc1: {  	v4 =	vperm.xlane v3, v0;
	_ =	sdelay $0x1  }
0xc2: {  	v4 =	vadd.s32 v1, v4;
	_ =	sdelay $0x3  }
0xc3: {  	s16 =	simm.s32 $0x18380;
	v3 =	vperm.xlane v3, v2  }
0xc4: {  	[tilespmem:s16], [sflag:$0x2] =	stream.indirect_vreg.gather [hbm4b:s2+s3], $0x80, v4, vm0, $0xb8;
	[tilespmem:$0x1E380] =	vst v63  }
0xc5: {  	v3 =	vadd.s32 v1, v3;
	s16 =	simm.s32 $0x18B80  }
0xc6: {  	[tilespmem:s16], [sflag:$0x2] =	stream.indirect_vreg.gather [hbm4b:s5+s3], $0x80, v4, vm0, $0xb8;
	[tilespmem:$0x1E380] =	vst v63  }
0xc7: {  	s16 =	simm.s32 $0x19380  }
0xc8: {  	[tilespmem:s16], [sflag:$0x2] =	stream.indirect_vreg.gather [hbm4b:s6+s3], $0x80, v4, vm0, $0xb8;
	[tilespmem:$0x1E380] =	vst v63  }
0xc9: {  	s16 =	simm.s32 $0x19B80  }
0xca: {  	[tilespmem:s16], [sflag:$0x2] =	stream.indirect_vreg.gather [hbm4b:s2+s3], $0x80, v3, vm0, $0xb8;
	[tilespmem:$0x1E380] =	vst v63  }
0xcb: {  	s16 =	simm.s32 $0x1A380  }
0xcc: {  	[tilespmem:s16], [sflag:$0x2] =	stream.indirect_vreg.gather [hbm4b:s5+s3], $0x80, v3, vm0, $0xb8;
	[tilespmem:$0x1E380] =	vst v63  }
0xcd: {  	s16 =	simm.s32 $0x1AB80  }
0xce: {  	[tilespmem:s16], [sflag:$0x2] =	stream.indirect_vreg.gather [hbm4b:s6+s3], $0x80, v3, vm0, $0xb8;
	[tilespmem:$0x1E380] =	vst v63  }
0xcf: {  	v3 =	vld [tilespmem:s25+$0x20];
	_ =	sdelay $0x4  }
0xd0: {  	v58 =	vshrl.u32 v3, $0x3  }
0xd1: {  	v4 =	vmul.u32 $0x30, v58  }
0xd2: {  	v3 =	vand.u32 $0x7, v3  }
0xd3: {  	v3 =	vor.u32 v3, v4  }
0xd4: {  	v4 =	vperm.xlane v3, v0;
	_ =	sdelay $0x1  }
0xd5: {  	v4 =	vadd.s32 v1, v4;
	_ =	sdelay $0x3  }
0xd6: {  	s16 =	simm.s32 $0x1B380;
	v3 =	vperm.xlane v3, v2  }
0xd7: {  	[tilespmem:s16], [sflag:$0x2] =	stream.indirect_vreg.gather [hbm4b:s2+s3], $0x80, v4, vm0, $0xb8;
	[tilespmem:$0x1E380] =	vst v63  }
0xd8: {  	v3 =	vadd.s32 v1, v3;
	s16 =	simm.s32 $0x1BB80  }
0xd9: {  	[tilespmem:s16], [sflag:$0x2] =	stream.indirect_vreg.gather [hbm4b:s5+s3], $0x80, v4, vm0, $0xb8;
	[tilespmem:$0x1E380] =	vst v63  }
0xda: {  	s16 =	simm.s32 $0x1C380  }
0xdb: {  	[tilespmem:s16], [sflag:$0x2] =	stream.indirect_vreg.gather [hbm4b:s6+s3], $0x80, v4, vm0, $0xb8;
	[tilespmem:$0x1E380] =	vst v63  }
0xdc: {  	s16 =	simm.s32 $0x1CB80  }
0xdd: {  	[tilespmem:s16], [sflag:$0x2] =	stream.indirect_vreg.gather [hbm4b:s2+s3], $0x80, v3, vm0, $0xb8;
	[tilespmem:$0x1E380] =	vst v63  }
0xde: {  	s16 =	simm.s32 $0x1D380  }
0xdf: {  	[tilespmem:s16], [sflag:$0x2] =	stream.indirect_vreg.gather [hbm4b:s5+s3], $0x80, v3, vm0, $0xb8;
	[tilespmem:$0x1E380] =	vst v63  }
0xe0: {  	s28 =	rddreg [dreg:$0x4];
	s16 =	simm.s32 $0x1DB80  }
0xe1: {  	[tilespmem:s16], [sflag:$0x2] =	stream.indirect_vreg.gather [hbm4b:s6+s3], $0x80, v3, vm0, $0xb8;
	[tilespmem:$0x1E380] =	vst v63  }
0xe2: {  	s31 =	simm.s32 $0x380;
	s28 =	sadd.s32 s26, s28  }
0xe3: {  	[hbm4b:s28+s3] =	stream.linear.scatter [tilespmem:s31], [sflag:$0x3], $0xF000, $0x38;
	[tilespmem:$0x1E380] =	vst v63  }
0xe4: {  	_ =	swait.ge [sflag:s22], $0xF000  }
0xe5: {  	[sflag:s22] =	ssyncset.done $0x0  }
0xe6: {  	[sflag:s22] =	ssyncadd.s32 $0xFFFF1000  }
0xe7: {  	_ =	swait.ge [sflag:s23], $0xF000  }
0xe8: {  	[sflag:s23] =	ssyncset.done $0x0  }
0xe9: {  	[sflag:s23] =	ssyncadd.s32 $0xFFFF1000  }
0xea: {  	v3 =	vld [tilespmem:s25+$0x30];
	_ =	sdelay $0x4  }
0xeb: {  	v59 =	vshrl.u32 v3, $0x3  }
0xec: {  	v4 =	vmul.u32 $0x30, v59  }
0xed: {  	v3 =	vand.u32 $0x7, v3  }
0xee: {  	v3 =	vor.u32 v3, v4  }
0xef: {  	v4 =	vperm.xlane v3, v0;
	_ =	sdelay $0x1  }
0xf0: {  	v4 =	vadd.s32 v1, v4;
	_ =	sdelay $0x3  }
0xf1: {  	v3 =	vperm.xlane v3, v2  }
0xf2: {  	[tilespmem:s31], [sflag:$0x1] =	stream.indirect_vreg.gather [hbm4b:s2+s3], $0x80, v4, vm0, $0xb8;
	[tilespmem:$0x1E380] =	vst v63  }
0xf3: {  	s28 =	simm.s32 $0xB80;
	v3 =	vadd.s32 v1, v3  }
0xf4: {  	[tilespmem:s28], [sflag:$0x1] =	stream.indirect_vreg.gather [hbm4b:s5+s3], $0x80, v4, vm0, $0xb8;
	[tilespmem:$0x1E380] =	vst v63  }
0xf5: {  	s28 =	simm.s32 $0x1380  }
0xf6: {  	[tilespmem:s28], [sflag:$0x1] =	stream.indirect_vreg.gather [hbm4b:s6+s3], $0x80, v4, vm0, $0xb8;
	[tilespmem:$0x1E380] =	vst v63  }
0xf7: {  	s28 =	simm.s32 $0x1B80  }
0xf8: {  	[tilespmem:s28], [sflag:$0x1] =	stream.indirect_vreg.gather [hbm4b:s2+s3], $0x80, v3, vm0, $0xb8;
	[tilespmem:$0x1E380] =	vst v63  }
0xf9: {  	s28 =	simm.s32 $0x2380  }
0xfa: {  	[tilespmem:s28], [sflag:$0x1] =	stream.indirect_vreg.gather [hbm4b:s5+s3], $0x80, v3, vm0, $0xb8;
	[tilespmem:$0x1E380] =	vst v63  }
0xfb: {  	s28 =	simm.s32 $0x2B80  }
0xfc: {  	[tilespmem:s28], [sflag:$0x1] =	stream.indirect_vreg.gather [hbm4b:s6+s3], $0x80, v3, vm0, $0xb8;
	[tilespmem:$0x1E380] =	vst v63  }
0xfd: {  	v3 =	vld [tilespmem:s25+$0x40];
	_ =	sdelay $0x4  }
0xfe: {  	v60 =	vshrl.u32 v3, $0x3  }
0xff: {  	v4 =	vmul.u32 $0x30, v60  }
0x100: {  	v3 =	vand.u32 $0x7, v3  }
0x101: {  	v3 =	vor.u32 v3, v4  }
0x102: {  	v4 =	vperm.xlane v3, v0;
	_ =	sdelay $0x1  }
0x103: {  	v4 =	vadd.s32 v1, v4;
	_ =	sdelay $0x3  }
0x104: {  	s28 =	simm.s32 $0x3380;
	v3 =	vperm.xlane v3, v2  }
0x105: {  	[tilespmem:s28], [sflag:$0x1] =	stream.indirect_vreg.gather [hbm4b:s2+s3], $0x80, v4, vm0, $0xb8;
	[tilespmem:$0x1E380] =	vst v63  }
0x106: {  	v3 =	vadd.s32 v1, v3  }
0x107: {  	[tilespmem:s7], [sflag:$0x1] =	stream.indirect_vreg.gather [hbm4b:s5+s3], $0x80, v4, vm0, $0xb8;
	[tilespmem:$0x1E380] =	vst v63  }
0x108: {  	_ = 	snop  }
0x109: {  	[tilespmem:s8], [sflag:$0x1] =	stream.indirect_vreg.gather [hbm4b:s6+s3], $0x80, v4, vm0, $0xb8;
	[tilespmem:$0x1E380] =	vst v63  }
0x10a: {  	_ = 	snop  }
0x10b: {  	[tilespmem:s9], [sflag:$0x1] =	stream.indirect_vreg.gather [hbm4b:s2+s3], $0x80, v3, vm0, $0xb8;
	[tilespmem:$0x1E380] =	vst v63  }
0x10c: {  	_ = 	snop  }
0x10d: {  	[tilespmem:s10], [sflag:$0x1] =	stream.indirect_vreg.gather [hbm4b:s5+s3], $0x80, v3, vm0, $0xb8;
	[tilespmem:$0x1E380] =	vst v63  }
0x10e: {  	_ = 	snop  }
0x10f: {  	[tilespmem:s12], [sflag:$0x1] =	stream.indirect_vreg.gather [hbm4b:s6+s3], $0x80, v3, vm0, $0xb8;
	[tilespmem:$0x1E380] =	vst v63  }
0x110: {  	v3 =	vld [tilespmem:s25+$0x50];
	_ =	sdelay $0x4  }
0x111: {  	v61 =	vshrl.u32 v3, $0x3  }
0x112: {  	v4 =	vmul.u32 $0x30, v61  }
0x113: {  	v3 =	vand.u32 $0x7, v3  }
0x114: {  	v3 =	vor.u32 v3, v4  }
0x115: {  	v4 =	vperm.xlane v3, v0;
	_ =	sdelay $0x1  }
0x116: {  	v4 =	vadd.s32 v1, v4;
	_ =	sdelay $0x3  }
0x117: {  	v3 =	vperm.xlane v3, v2  }
0x118: {  	[tilespmem:s13], [sflag:$0x1] =	stream.indirect_vreg.gather [hbm4b:s2+s3], $0x80, v4, vm0, $0xb8;
	[tilespmem:$0x1E380] =	vst v63  }
0x119: {  	v3 =	vadd.s32 v1, v3  }
0x11a: {  	[tilespmem:s14], [sflag:$0x1] =	stream.indirect_vreg.gather [hbm4b:s5+s3], $0x80, v4, vm0, $0xb8;
	[tilespmem:$0x1E380] =	vst v63  }
0x11b: {  	_ = 	snop  }
0x11c: {  	[tilespmem:s17], [sflag:$0x1] =	stream.indirect_vreg.gather [hbm4b:s6+s3], $0x80, v4, vm0, $0xb8;
	[tilespmem:$0x1E380] =	vst v63  }
0x11d: {  	_ = 	snop  }
0x11e: {  	[tilespmem:s18], [sflag:$0x1] =	stream.indirect_vreg.gather [hbm4b:s2+s3], $0x80, v3, vm0, $0xb8;
	[tilespmem:$0x1E380] =	vst v63  }
0x11f: {  	_ = 	snop  }
0x120: {  	[tilespmem:s19], [sflag:$0x1] =	stream.indirect_vreg.gather [hbm4b:s5+s3], $0x80, v3, vm0, $0xb8;
	[tilespmem:$0x1E380] =	vst v63  }
0x121: {  	_ = 	snop  }
0x122: {  	[tilespmem:s20], [sflag:$0x1] =	stream.indirect_vreg.gather [hbm4b:s6+s3], $0x80, v3, vm0, $0xb8;
	[tilespmem:$0x1E380] =	vst v63  }
0x123: {  	v3 =	vld [tilespmem:s25+$0x60];
	_ =	sdelay $0x4  }
0x124: {  	v62 =	vshrl.u32 v3, $0x3  }
0x125: {  	v4 =	vmul.u32 $0x30, v62  }
0x126: {  	v3 =	vand.u32 $0x7, v3  }
0x127: {  	v3 =	vor.u32 v3, v4  }
0x128: {  	v4 =	vperm.xlane v3, v0;
	_ =	sdelay $0x1  }
0x129: {  	v4 =	vadd.s32 v1, v4;
	_ =	sdelay $0x3  }
0x12a: {  	v3 =	vperm.xlane v3, v2  }
0x12b: {  	[tilespmem:s21], [sflag:$0x1] =	stream.indirect_vreg.gather [hbm4b:s2+s3], $0x80, v4, vm0, $0xb8;
	[tilespmem:$0x1E380] =	vst v63  }
0x12c: {  	v3 =	vadd.s32 v1, v3  }
0x12d: {  	[tilespmem:s11], [sflag:$0x1] =	stream.indirect_vreg.gather [hbm4b:s5+s3], $0x80, v4, vm0, $0xb8;
	[tilespmem:$0x1E380] =	vst v63  }
0x12e: {  	s31 =	simm.s32 $0xA380  }
0x12f: {  	[tilespmem:s31], [sflag:$0x1] =	stream.indirect_vreg.gather [hbm4b:s6+s3], $0x80, v4, vm0, $0xb8;
	[tilespmem:$0x1E380] =	vst v63  }
0x130: {  	_ = 	snop  }
0x131: {  	[tilespmem:s29], [sflag:$0x1] =	stream.indirect_vreg.gather [hbm4b:s2+s3], $0x80, v3, vm0, $0xb8;
	[tilespmem:$0x1E380] =	vst v63  }
0x132: {  	s28 =	simm.s32 $0xB380  }
0x133: {  	[tilespmem:s28], [sflag:$0x1] =	stream.indirect_vreg.gather [hbm4b:s5+s3], $0x80, v3, vm0, $0xb8;
	[tilespmem:$0x1E380] =	vst v63  }
0x134: {  	s28 =	simm.s32 $0xBB80  }
0x135: {  	[tilespmem:s28], [sflag:$0x1] =	stream.indirect_vreg.gather [hbm4b:s6+s3], $0x80, v3, vm0, $0xb8;
	[tilespmem:$0x1E380] =	vst v63  }
0x136: {  	v3 =	vld [tilespmem:s25+$0x70];
	_ =	sdelay $0x4  }
0x137: {  	v63 =	vshrl.u32 v3, $0x3  }
0x138: {  	v4 =	vmul.u32 $0x30, v63  }
0x139: {  	v3 =	vand.u32 $0x7, v3  }
0x13a: {  	v3 =	vor.u32 v3, v4  }
0x13b: {  	v4 =	vperm.xlane v3, v0;
	_ =	sdelay $0x1  }
0x13c: {  	v4 =	vadd.s32 v1, v4;
	_ =	sdelay $0x3  }
0x13d: {  	s28 =	simm.s32 $0xC380;
	v3 =	vperm.xlane v3, v2  }
0x13e: {  	[tilespmem:s28], [sflag:$0x1] =	stream.indirect_vreg.gather [hbm4b:s2+s3], $0x80, v4, vm0, $0xb8;
	[tilespmem:$0x1E380] =	vst v63  }
0x13f: {  	v3 =	vadd.s32 v1, v3;
	s28 =	simm.s32 $0xCB80  }
0x140: {  	[tilespmem:s28], [sflag:$0x1] =	stream.indirect_vreg.gather [hbm4b:s5+s3], $0x80, v4, vm0, $0xb8;
	[tilespmem:$0x1E380] =	vst v63  }
0x141: {  	s28 =	simm.s32 $0xD380  }
0x142: {  	[tilespmem:s28], [sflag:$0x1] =	stream.indirect_vreg.gather [hbm4b:s6+s3], $0x80, v4, vm0, $0xb8;
	[tilespmem:$0x1E380] =	vst v63  }
0x143: {  	_ = 	snop  }
0x144: {  	[tilespmem:s30], [sflag:$0x1] =	stream.indirect_vreg.gather [hbm4b:s2+s3], $0x80, v3, vm0, $0xb8;
	[tilespmem:$0x1E380] =	vst v63  }
0x145: {  	_ = 	snop  }
0x146: {  	[tilespmem:s0], [sflag:$0x1] =	stream.indirect_vreg.gather [hbm4b:s5+s3], $0x80, v3, vm0, $0xb8;
	[tilespmem:$0x1E380] =	vst v63  }
0x147: {  	p0 =	sne.s32 s26, $0xB400;
	s28 =	rddreg [dreg:$0x3]  }
0x148: {  	[tilespmem:s4], [sflag:$0x1] =	stream.indirect_vreg.gather [hbm4b:s6+s3], $0x80, v3, vm0, $0xb8;
	[tilespmem:$0x1E380] =	vst v63  }
.Ltmp0:
0x149: {  	s1 =	simm.s32 $0xF380;
	s28 =	sadd.s32 s26, s28;
	(pc) =	sbr.rel @p0 .LBB2_2-.Ltmp0, $4  }
0x14a: {  	[hbm4b:s28+s3] =	stream.linear.scatter [tilespmem:s1], [sflag:$0x4], $0xF000, $0x38;
	[tilespmem:$0x1E380] =	vst v63  }
0x14b: {  	_ =	swait.ge [sflag:s24], $0xF000  }
0x14c: {  	s16 =	simm.s32 $0x380;
	s25 =	sadd.s32 $0xA0, s25;
	[sflag:s24] =	ssyncset.done $0x0  }
0x14d: {  	s26 =	sadd.s32 $0x3C00, s26;
	s28 =	simm.s32 $0xF380;
	[sflag:s24] =	ssyncadd.s32 $0xFFFF1000  }
0x14e: {  	_ =	swait.ge [sflag:s15], $0xF000  }
0x14f: {  	[sflag:s15] =	ssyncset.done $0x0  }
0x150: {  	[sflag:s15] =	ssyncadd.s32 $0xFFFF1000  }
0x151: {  	v3 =	vld [tilespmem:$0x2D0];
	_ =	sdelay $0x4  }
0x152: {  	v4 =	vshrl.u32 v3, $0x3  }
0x153: {  	v4 =	vmul.u32 $0x30, v4  }
0x154: {  	v3 =	vand.u32 $0x7, v3  }
0x155: {  	v3 =	vor.u32 v3, v4  }
0x156: {  	v4 =	vperm.xlane v3, v0;
	_ =	sdelay $0x1  }
0x157: {  	v4 =	vadd.s32 v1, v4;
	_ =	sdelay $0x3  }
0x158: {  	v3 =	vperm.xlane v3, v2  }
0x159: {  	[tilespmem:s28], [sflag:$0x2] =	stream.indirect_vreg.gather [hbm4b:s2+s3], $0x80, v4, vm0, $0xb8;
	[tilespmem:$0x1E380] =	vst v63  }
0x15a: {  	s0 =	simm.s32 $0xFB80;
	v3 =	vadd.s32 v1, v3  }
0x15b: {  	[tilespmem:s0], [sflag:$0x2] =	stream.indirect_vreg.gather [hbm4b:s5+s3], $0x80, v4, vm0, $0xb8;
	[tilespmem:$0x1E380] =	vst v63  }
0x15c: {  	s8 =	simm.s32 $0x10380  }
0x15d: {  	[tilespmem:s8], [sflag:$0x2] =	stream.indirect_vreg.gather [hbm4b:s6+s3], $0x80, v4, vm0, $0xb8;
	[tilespmem:$0x1E380] =	vst v63  }
0x15e: {  	s9 =	simm.s32 $0x10B80  }
0x15f: {  	[tilespmem:s9], [sflag:$0x2] =	stream.indirect_vreg.gather [hbm4b:s2+s3], $0x80, v3, vm0, $0xb8;
	[tilespmem:$0x1E380] =	vst v63  }
0x160: {  	s10 =	simm.s32 $0x11380  }
0x161: {  	[tilespmem:s10], [sflag:$0x2] =	stream.indirect_vreg.gather [hbm4b:s5+s3], $0x80, v3, vm0, $0xb8;
	[tilespmem:$0x1E380] =	vst v63  }
0x162: {  	s11 =	simm.s32 $0x11B80  }
0x163: {  	[tilespmem:s11], [sflag:$0x2] =	stream.indirect_vreg.gather [hbm4b:s6+s3], $0x80, v3, vm0, $0xb8;
	[tilespmem:$0x1E380] =	vst v63  }
0x164: {  	v3 =	vld [tilespmem:$0x2E0];
	_ =	sdelay $0x4  }
0x165: {  	v60 =	vshrl.u32 v3, $0x3  }
0x166: {  	v4 =	vmul.u32 $0x30, v60  }
0x167: {  	v3 =	vand.u32 $0x7, v3  }
0x168: {  	v3 =	vor.u32 v3, v4  }
0x169: {  	v4 =	vperm.xlane v3, v0;
	_ =	sdelay $0x1  }
0x16a: {  	v4 =	vadd.s32 v1, v4;
	_ =	sdelay $0x3  }
0x16b: {  	s12 =	simm.s32 $0x12380;
	v3 =	vperm.xlane v3, v2  }
0x16c: {  	[tilespmem:s12], [sflag:$0x2] =	stream.indirect_vreg.gather [hbm4b:s2+s3], $0x80, v4, vm0, $0xb8;
	[tilespmem:$0x1E380] =	vst v63  }
0x16d: {  	s13 =	simm.s32 $0x12B80;
	v3 =	vadd.s32 v1, v3  }
0x16e: {  	[tilespmem:s13], [sflag:$0x2] =	stream.indirect_vreg.gather [hbm4b:s5+s3], $0x80, v4, vm0, $0xb8;
	[tilespmem:$0x1E380] =	vst v63  }
0x16f: {  	s14 =	simm.s32 $0x13380  }
0x170: {  	[tilespmem:s14], [sflag:$0x2] =	stream.indirect_vreg.gather [hbm4b:s6+s3], $0x80, v4, vm0, $0xb8;
	[tilespmem:$0x1E380] =	vst v63  }
0x171: {  	s17 =	simm.s32 $0x13B80  }
0x172: {  	[tilespmem:s17], [sflag:$0x2] =	stream.indirect_vreg.gather [hbm4b:s2+s3], $0x80, v3, vm0, $0xb8;
	[tilespmem:$0x1E380] =	vst v63  }
0x173: {  	s18 =	simm.s32 $0x14380  }
0x174: {  	[tilespmem:s18], [sflag:$0x2] =	stream.indirect_vreg.gather [hbm4b:s5+s3], $0x80, v3, vm0, $0xb8;
	[tilespmem:$0x1E380] =	vst v63  }
0x175: {  	s19 =	simm.s32 $0x14B80  }
0x176: {  	[tilespmem:s19], [sflag:$0x2] =	stream.indirect_vreg.gather [hbm4b:s6+s3], $0x80, v3, vm0, $0xb8;
	[tilespmem:$0x1E380] =	vst v63  }
0x177: {  	v3 =	vld [tilespmem:$0x2F0];
	_ =	sdelay $0x4  }
0x178: {  	v61 =	vshrl.u32 v3, $0x3  }
0x179: {  	v4 =	vmul.u32 $0x30, v61  }
0x17a: {  	v3 =	vand.u32 $0x7, v3  }
0x17b: {  	v3 =	vor.u32 v3, v4  }
0x17c: {  	v4 =	vperm.xlane v3, v0;
	_ =	sdelay $0x1  }
0x17d: {  	v4 =	vadd.s32 v1, v4;
	_ =	sdelay $0x3  }
0x17e: {  	s20 =	simm.s32 $0x15380;
	v3 =	vperm.xlane v3, v2  }
0x17f: {  	[tilespmem:s20], [sflag:$0x2] =	stream.indirect_vreg.gather [hbm4b:s2+s3], $0x80, v4, vm0, $0xb8;
	[tilespmem:$0x1E380] =	vst v63  }
0x180: {  	s21 =	simm.s32 $0x15B80;
	v3 =	vadd.s32 v1, v3  }
0x181: {  	[tilespmem:s21], [sflag:$0x2] =	stream.indirect_vreg.gather [hbm4b:s5+s3], $0x80, v4, vm0, $0xb8;
	[tilespmem:$0x1E380] =	vst v63  }
0x182: {  	s25 =	simm.s32 $0x16380  }
0x183: {  	[tilespmem:s25], [sflag:$0x2] =	stream.indirect_vreg.gather [hbm4b:s6+s3], $0x80, v4, vm0, $0xb8;
	[tilespmem:$0x1E380] =	vst v63  }
0x184: {  	s26 =	simm.s32 $0x16B80  }
0x185: {  	[tilespmem:s26], [sflag:$0x2] =	stream.indirect_vreg.gather [hbm4b:s2+s3], $0x80, v3, vm0, $0xb8;
	[tilespmem:$0x1E380] =	vst v63  }
0x186: {  	s1 =	simm.s32 $0x17380  }
0x187: {  	[tilespmem:s1], [sflag:$0x2] =	stream.indirect_vreg.gather [hbm4b:s5+s3], $0x80, v3, vm0, $0xb8;
	[tilespmem:$0x1E380] =	vst v63  }
0x188: {  	s4 =	simm.s32 $0x17B80  }
0x189: {  	[tilespmem:s4], [sflag:$0x2] =	stream.indirect_vreg.gather [hbm4b:s6+s3], $0x80, v3, vm0, $0xb8;
	[tilespmem:$0x1E380] =	vst v63  }
0x18a: {  	v3 =	vld [tilespmem:$0x300];
	_ =	sdelay $0x4  }
0x18b: {  	v62 =	vshrl.u32 v3, $0x3  }
0x18c: {  	v4 =	vmul.u32 $0x30, v62  }
0x18d: {  	v3 =	vand.u32 $0x7, v3  }
0x18e: {  	v3 =	vor.u32 v3, v4  }
0x18f: {  	v4 =	vperm.xlane v3, v0;
	_ =	sdelay $0x1  }
0x190: {  	v4 =	vadd.s32 v1, v4;
	_ =	sdelay $0x3  }
0x191: {  	s7 =	simm.s32 $0x18380;
	v3 =	vperm.xlane v3, v2  }
0x192: {  	[tilespmem:s7], [sflag:$0x2] =	stream.indirect_vreg.gather [hbm4b:s2+s3], $0x80, v4, vm0, $0xb8;
	[tilespmem:$0x1E380] =	vst v63  }
0x193: {  	s8 =	simm.s32 $0x18B80;
	v3 =	vadd.s32 v1, v3  }
0x194: {  	[tilespmem:s8], [sflag:$0x2] =	stream.indirect_vreg.gather [hbm4b:s5+s3], $0x80, v4, vm0, $0xb8;
	[tilespmem:$0x1E380] =	vst v63  }
0x195: {  	s9 =	simm.s32 $0x19380  }
0x196: {  	[tilespmem:s9], [sflag:$0x2] =	stream.indirect_vreg.gather [hbm4b:s6+s3], $0x80, v4, vm0, $0xb8;
	[tilespmem:$0x1E380] =	vst v63  }
0x197: {  	s10 =	simm.s32 $0x19B80  }
0x198: {  	[tilespmem:s10], [sflag:$0x2] =	stream.indirect_vreg.gather [hbm4b:s2+s3], $0x80, v3, vm0, $0xb8;
	[tilespmem:$0x1E380] =	vst v63  }
0x199: {  	s11 =	simm.s32 $0x1A380  }
0x19a: {  	[tilespmem:s11], [sflag:$0x2] =	stream.indirect_vreg.gather [hbm4b:s5+s3], $0x80, v3, vm0, $0xb8;
	[tilespmem:$0x1E380] =	vst v63  }
0x19b: {  	s12 =	simm.s32 $0x1AB80  }
0x19c: {  	[tilespmem:s12], [sflag:$0x2] =	stream.indirect_vreg.gather [hbm4b:s6+s3], $0x80, v3, vm0, $0xb8;
	[tilespmem:$0x1E380] =	vst v63  }
0x19d: {  	v3 =	vld [tilespmem:$0x310];
	_ =	sdelay $0x4  }
0x19e: {  	v63 =	vshrl.u32 v3, $0x3  }
0x19f: {  	v4 =	vmul.u32 $0x30, v63  }
0x1a0: {  	v3 =	vand.u32 $0x7, v3  }
0x1a1: {  	v3 =	vor.u32 v3, v4  }
0x1a2: {  	v4 =	vperm.xlane v3, v0;
	_ =	sdelay $0x1  }
0x1a3: {  	v4 =	vadd.s32 v1, v4;
	_ =	sdelay $0x3  }
0x1a4: {  	s13 =	simm.s32 $0x1B380;
	v3 =	vperm.xlane v3, v2  }
0x1a5: {  	[tilespmem:s13], [sflag:$0x2] =	stream.indirect_vreg.gather [hbm4b:s2+s3], $0x80, v4, vm0, $0xb8;
	[tilespmem:$0x1E380] =	vst v63  }
0x1a6: {  	s14 =	simm.s32 $0x1BB80;
	v3 =	vadd.s32 v1, v3  }
0x1a7: {  	[tilespmem:s14], [sflag:$0x2] =	stream.indirect_vreg.gather [hbm4b:s5+s3], $0x80, v4, vm0, $0xb8;
	[tilespmem:$0x1E380] =	vst v63  }
0x1a8: {  	s17 =	simm.s32 $0x1C380  }
0x1a9: {  	[tilespmem:s17], [sflag:$0x2] =	stream.indirect_vreg.gather [hbm4b:s6+s3], $0x80, v4, vm0, $0xb8;
	[tilespmem:$0x1E380] =	vst v63  }
0x1aa: {  	s18 =	simm.s32 $0x1CB80  }
0x1ab: {  	[tilespmem:s18], [sflag:$0x2] =	stream.indirect_vreg.gather [hbm4b:s2+s3], $0x80, v3, vm0, $0xb8;
	[tilespmem:$0x1E380] =	vst v63  }
0x1ac: {  	s19 =	simm.s32 $0x1D380  }
0x1ad: {  	[tilespmem:s19], [sflag:$0x2] =	stream.indirect_vreg.gather [hbm4b:s5+s3], $0x80, v3, vm0, $0xb8;
	[tilespmem:$0x1E380] =	vst v63  }
0x1ae: {  	s20 =	simm.s32 $0x1DB80  }
0x1af: {  	[tilespmem:s20], [sflag:$0x2] =	stream.indirect_vreg.gather [hbm4b:s6+s3], $0x80, v3, vm0, $0xb8;
	[tilespmem:$0x1E380] =	vst v63  }
0x1b0: {  	s25 =	rddreg [dreg:$0x6]  }
0x1b1: {  	[hbm4b:s25+s3] =	stream.linear.scatter [tilespmem:s16], [sflag:$0x3], $0xF000, $0x38;
	[tilespmem:$0x1E380] =	vst v63  }
0x1b2: {  	_ =	swait.ge [sflag:s22], $0xF000  }
0x1b3: {  	[sflag:s22] =	ssyncset.done $0x0  }
0x1b4: {  	[sflag:s22] =	ssyncadd.s32 $0xFFFF1000  }
0x1b5: {  	_ =	swait.ge [sflag:s23], $0xF000  }
0x1b6: {  	s29 =	simm.s32 $0x1B80;
	[sflag:s23] =	ssyncset.done $0x0  }
0x1b7: {  	s30 =	simm.s32 $0xAB80;
	s21 =	rddreg [dreg:$0x7];
	[sflag:s23] =	ssyncadd.s32 $0xFFFF1000  }
0x1b8: {  	[hbm4b:s21+s3] =	stream.linear.scatter [tilespmem:s28], [sflag:$0x4], $0xF000, $0x38;
	[tilespmem:$0x1E380] =	vst v63  }
0x1b9: {  	s1 =	simm.s32 $0x2380;
	s4 =	simm.s32 $0x3380;
	_ =	swait.ge [sflag:s24], $0xF000  }
0x1ba: {  	s7 =	simm.s32 $0x3B80;
	s8 =	simm.s32 $0x4380;
	s25 =	rddreg [dreg:$0x9]  }
0x1bb: {  	s9 =	simm.s32 $0x4B80;
	s26 =	rddreg [dreg:$0x8];
	s0 =	sadd.s32 $0x1, s25  }
0x1bc: {  	s10 =	simm.s32 $0x5380;
	s11 =	simm.s32 $0x9B80;
	p0 =	sne.s32 s0, s26  }
.Ltmp1:
0x1bd: {  	s12 =	simm.s32 $0x5B80;
	s13 =	simm.s32 $0x6380;
	(pc) =	sbr.rel @p0 .LBB2_1-.Ltmp1, $4  }
0x1be: {  	s14 =	simm.s32 $0x6B80;
	s17 =	simm.s32 $0x7380;
	s18 =	simm.s32 $0x7B80  }
0x1bf: {  	s19 =	simm.s32 $0x8380;
	s20 =	simm.s32 $0x8B80;
	[sflag:s24] =	ssyncset.done $0x0  }
0x1c0: {  	s28 =	simm.s32 $0x1380;
	s21 =	simm.s32 $0x9380;
	[sflag:s24] =	ssyncadd.s32 $0xFFFF1000  }
0x1c1: {  	[dreg:$0x9] =	wrdreg s0;
	s26 =	simm.s32 $0xB80;
	s0 =	simm.s32 $0x2B80  }
0x1c2: {  	_ =	sfence.sel $0x180000  }
0x1c3: {  	[bflag:$0x0] =	sbarrier.arrive $0xFFFF  }
0x1c4: {  	_ =	strace $0x90000047  }
0x1c5: {  	s0 =	stileid.u32;
	[bflag:$0x2] =	sbarrier.arrive $0xFFFF  }
0x1c6: {  	p0 =	sne.s32 s0, $0x0;
	s0 =	rddreg [dreg:$0x2]  }
0x1c7: {  	s0 =	sadd.s32 @!p0 $0x100000, s0  }
0x1c8: {  	[sflag:s0] =	ssyncadd.tile.s32 @!p0 $0x1;
	_ =	shalt  }
.Lfunc_end2:
_tile_overlayer_lowered:
.L_overlay_start_2:
0x1c9: {  	(tag) =	ssettag $0x2  }
0x1ca: {  	s0 =	rddreg [dreg:$0x0];
	s2 =	stileid.u32  }
0x1cb: {  	s1 =	rddreg [dreg:$0x1];
	p0 =	sne.s32 s2, $0x0  }
0x1cc: {  	s3 =	rddreg [dreg:$0x2];
	[bflag:$0x3] =	sbarrier.arrive $0xFFFF;
	s2 =	simm.s32 @!p0 $0x1C05  }
0x1cd: {  	[timem:s3], [sflag:s2] =	dma.local @!p0 [hbm:s0], s1  }
0x1ce: {  	s0 =	simm.s32 @!p0 $0x5  }
0x1cf: {  	_ =	swait.ge @!p0 [sflag:s0], s1  }
0x1d0: {  	s1 =	ssub.s32 @!p0 $0x0, s1;
	[sflag:s0] =	ssyncset.done @!p0 $0x0  }
0x1d1: {  	[sflag:s0] =	ssyncadd.s32 @!p0 s1  }
0x1d2: {  	[bflag:$0x3] =	sbarrier.arrive $0xFFFF  }
0x1d3: {  	_ =	shalt  }

// kernel: kernel.9.cloned.1.call-start
scs
__scs_entry_jumppad:
0x0: {  	(pc) =	sbr.rel $0x88, $3  }
0x1: {  	(tag) =	ssettag $0x0;
	lr =	simm.s32 $0x1  }
0x2: {  	[smem:$0x3F94] =	sst lr;
	_ =	strace $0xD0000000  }
0x3: {  	_ = 	snop  }
0x4: {  	_ = 	snop  }
0x5: {  	_ = 	snop  }
0x6: {  	_ = 	snop  }
0x7: {  	_ = 	snop  }
__scs_overlays_trampoline_lowered:
0x8: {  	[smem:$0x3FA3] =	sst s0  }
0x9: {  	[smem:$0x3FA4] =	sst s1  }
0xa: {  	[smem:$0x3FA5] =	sst s2  }
0xb: {  	[smem:$0x3FA6] =	sst s3  }
0xc: {  	[smem:$0x3FA7] =	sst s4  }
0xd: {  	[smem:$0x3FA8] =	sst s5  }
0xe: {  	[smem:$0x3FA9] =	sst s6  }
0xf: {  	[smem:$0x3FAA] =	sst s7  }
0x10: {  	[smem:$0x3FAB] =	sst s8  }
0x11: {  	[smem:$0x3FAC] =	sst s9;
	s0 =	simm.s32 @!p0 $0x0  }
0x12: {  	s1 =	sld [smem:$0x3F92];
	s0 =	simm.s32 @p0 $0x1  }
0x13: {  	[smem:$0x3FAD] =	sst s0;
	s0 =	simm.s32 @!p1 $0x0  }
0x14: {  	s2 =	sld [smem:$0x3F91];
	s0 =	simm.s32 @p1 $0x1  }
0x15: {  	[smem:$0x3FAE] =	sst s0;
	s0 =	simm.s32 @!p2 $0x0  }
0x16: {  	s3 =	sld [smem:$0x3FDB];
	s0 =	simm.s32 @p2 $0x1  }
0x17: {  	s4 =	simm.s32 $0x1BF5;
	[smem:$0x3FB0] =	sst s0  }
0x18: {  	s0 =	sld [smem:$0x3F93];
	_ =	swait.ge [sflag:s4], $0x0  }
0x19: {  	s7 =	sld [smem:$0x3F94]  }
0x1a: {  	s8 =	sadd.s32 $0xFFFFE003, lr  }
0x1b: {  	s9 =	sadd.s32 $0xFFFFFEF7, lr;
	s5 =	simm.s32 $0xFFFFFFFF;
	p2 =	slt.u32 s8, $0xFFFFF086  }
0x1c: {  	p1 =	slt.u32 s9, $0xF7A;
	s5 =	simm.s32 @!p2 $0x0  }
0x1d: {  	s5 =	simm.s32 @p1 $0x1;
	p0 =	seq.s32 s7, s2  }
0x1e: {  	s7 =	smul.u32 @!p0 $0xF7A, s2;
	p2 =	seq.s32 @!p0 s5, $0x0  }
0x1f: {  	s9 =	smul.u32 $0xF7A, s1;
	s8 =	simm.s32 @!p0 $0x1BF5;
	p2 =	por !p2, p0  }
0x20: {  	[sflag:s8] =	ssyncset.s32 @!p0 $0xFFFFF086;
	s6 =	sadd.s32 @!p0 s3, s7;
	s7 =	simm.s32 @!p0 $0x108  }
0x21: {  	s3 =	sadd.s32 s3, s9;
	s6 =	sadd.s32 @!p0 $0x88, s6;
	s7 =	simm.s32 @p2 $0x1082  }
0x22: {  	[simem:s7], [sflag:s8] =	dma.local @!p0 [hbm:s6], $0xF7A  }
0x23: {  	s9 =	sor.u32 $0xD0000000, s2;
	s6 =	simm.s32 $0x108;
	_ =	swait.ge @!p0 [sflag:s8], $0x0  }
0x24: {  	s3 =	sadd.s32 $0x88, s3;
	s6 =	simm.s32 @!p1 $0x1082;
	[sflag:s4] =	ssyncset.s32 $0xFFFFF086  }
0x25: {  	[simem:s6], [sflag:s4] =	dma.local [hbm:s3], $0xF7A  }
0x26: {  	[smem:$0x3F94] =	sst s1;
	(tag) =	ssettag s2;
	_ =	strace s9  }
0x27: {  	s1 =	sld [smem:$0x3FA4]  }
0x28: {  	s2 =	sld [smem:$0x3FA5]  }
0x29: {  	s4 =	sld [smem:$0x3FA7]  }
0x2a: {  	p0 =	seq.s32 s5, $0x0;
	s5 =	sld [smem:$0x3FA8]  }
0x2b: {  	s6 =	sld [smem:$0x3FA9]  }
0x2c: {  	s7 =	sld [smem:$0x3FAA]  }
0x2d: {  	s3 =	simm.s32 $0x108;
	s8 =	sld [smem:$0x3FAB]  }
0x2e: {  	s3 =	simm.s32 @!p0 $0x1082;
	s9 =	sld [smem:$0x3FAC]  }
0x2f: {  	lr =	sadd.s32 s0, s3;
	s0 =	sld [smem:$0x3FA3]  }
0x30: {  	s3 =	sld [smem:$0x3FA6]  }
0x31: {  	[smem:$0x3FAF] =	sst s10  }
0x32: {  	s10 =	sld [smem:$0x3FAD];
	_ =	sdelay $0x3  }
0x33: {  	p0 =	seq.s32 s10, $0x1;
	s10 =	sld [smem:$0x3FAF];
	_ =	sdelay $0x3  }
0x34: {  	[smem:$0x3FAF] =	sst s10  }
0x35: {  	s10 =	sld [smem:$0x3FAE];
	_ =	sdelay $0x3  }
0x36: {  	p1 =	seq.s32 s10, $0x1;
	s10 =	sld [smem:$0x3FAF];
	_ =	sdelay $0x3  }
0x37: {  	[smem:$0x3FAF] =	sst s10  }
0x38: {  	s10 =	sld [smem:$0x3FB0]  }
0x39: {  	_ = 	snop;
	(pc) =	sbr.ind lr, $3  }
0x3a: {  	_ = 	snop  }
0x3b: {  	_ = 	snop  }
0x3c: {  	p2 =	seq.s32 s10, $0x1;
	s10 =	sld [smem:$0x3FAF]  }
0x3d: {  	_ =	shalt  }
0x3e: {  	_ =	shalt  }
0x3f: {  	_ =	shalt  }
0x40: {  	_ =	shalt  }
0x41: {  	_ =	shalt  }
0x42: {  	_ =	shalt  }
0x43: {  	_ =	shalt  }
0x44: {  	_ =	shalt  }
0x45: {  	_ =	shalt  }
0x46: {  	_ =	shalt  }
0x47: {  	_ =	shalt  }
0x48: {  	_ =	shalt  }
0x49: {  	_ =	shalt  }
0x4a: {  	_ =	shalt  }
0x4b: {  	_ =	shalt  }
0x4c: {  	_ =	shalt  }
0x4d: {  	_ =	shalt  }
0x4e: {  	_ =	shalt  }
0x4f: {  	_ =	shalt  }
0x50: {  	_ =	shalt  }
0x51: {  	_ =	shalt  }
0x52: {  	_ =	shalt  }
0x53: {  	_ =	shalt  }
0x54: {  	_ =	shalt  }
0x55: {  	_ =	shalt  }
0x56: {  	_ =	shalt  }
0x57: {  	_ =	shalt  }
0x58: {  	_ =	shalt  }
0x59: {  	_ =	shalt  }
0x5a: {  	_ =	shalt  }
0x5b: {  	_ =	shalt  }
0x5c: {  	_ =	shalt  }
0x5d: {  	_ =	shalt  }
0x5e: {  	_ =	shalt  }
0x5f: {  	_ =	shalt  }
0x60: {  	_ =	shalt  }
0x61: {  	_ =	shalt  }
0x62: {  	_ =	shalt  }
0x63: {  	_ =	shalt  }
0x64: {  	_ =	shalt  }
0x65: {  	_ =	shalt  }
0x66: {  	_ =	shalt  }
0x67: {  	_ =	shalt  }
0x68: {  	_ =	shalt  }
0x69: {  	_ =	shalt  }
0x6a: {  	_ =	shalt  }
0x6b: {  	_ =	shalt  }
0x6c: {  	_ =	shalt  }
0x6d: {  	_ =	shalt  }
0x6e: {  	_ =	shalt  }
0x6f: {  	_ =	shalt  }
0x70: {  	_ =	shalt  }
0x71: {  	_ =	shalt  }
0x72: {  	_ =	shalt  }
0x73: {  	_ =	shalt  }
0x74: {  	_ =	shalt  }
0x75: {  	_ =	shalt  }
0x76: {  	_ =	shalt  }
0x77: {  	_ =	shalt  }
0x78: {  	_ =	shalt  }
0x79: {  	_ =	shalt  }
0x7a: {  	_ =	shalt  }
0x7b: {  	_ =	shalt  }
0x7c: {  	_ =	shalt  }
0x7d: {  	_ =	shalt  }
0x7e: {  	_ =	shalt  }
0x7f: {  	_ =	shalt  }
0x80: {  	_ =	shalt  }
0x81: {  	_ =	shalt  }
0x82: {  	_ =	shalt  }
0x83: {  	_ =	shalt  }
0x84: {  	_ =	shalt  }
0x85: {  	_ =	shalt  }
0x86: {  	_ =	shalt  }
0x87: {  	_ =	shalt  }
.Lfunc_end0:
.L_simem_size_0:
called_computation.1_lowered:
.L_overlay_start_0:
0x88: {  	s2 =	sld [smem:$0x3FD9]  }
0x89: {  	s3 =	sld [smem:$0x3FFE];
	_ =	sdelay $0x1  }
0x8a: {  	s1 =	srdreg.scid  }
0x8b: {  	s0 =	sand.u32 $0x1, s1  }
0x8c: {  	s17 =	sshll.u32 s0, $0xA;
	s2 =	sadd.s32 s3, s2  }
0x8d: {  	s2 =	sadd.s32 s2, s17  }
0x8e: {  	[smem:$0x3FBB] =	sst s2  }
0x8f: {  	_ = 	snop  }
0x90: {  	s18 =	sld [smem:$0x3FC5]  }
0x91: {  	s4 =	sld [smem:$0x3FD0];
	(tm) =	ssettm $0x1  }
0x92: {  	s19 =	sld [smem:$0x3FFB];
	_ =	sdelay $0x3  }
0x93: {  	_ =	strace s19  }
0x94: {  	s2 =	sld [smem:$0x3FFC];
	_ =	sdelay $0x3  }
0x95: {  	_ =	strace s2  }
0x96: {  	s2 =	sld [smem:$0x3FFD];
	_ =	sdelay $0x3  }
0x97: {  	_ =	strace s2  }
0x98: {  	_ =	strace $0x8FFFFFFF  }
0x99: {  	s20 =	sld [smem:$0x3FDB];
	_ =	sdelay $0x1  }
0x9a: {  	s5 =	simm.s32 $_scs_section_size  }
0x9b: {  	s6 =	simm.s32 $_size__tile_overlayer_lowered;
	s7 =	simm.s32 $_tile_overlayer_lowered  }
0x9c: {  	s8 =	simm.s32 $0x1BFF;
	s21 =	sshll.u32 s7, $0x1;
	s5 =	sadd.s32 s5, s20  }
0x9d: {  	s22 =	simm.s32 $0x0;
	s6 =	sshll.u32 s6, $0x1;
	s7 =	sadd.s32 s21, s5  }
0x9e: {  	[timem:s22], [sflag:s8] =	dma.local [hbm:s7], s6  }
0x9f: {  	_ =	swait.ge [sflag:s8], s6  }
0xa0: {  	s6 =	ssub.s32 $0x0, s6;
	[sflag:s8] =	ssyncset.done $0x0  }
0xa1: {  	[sflag:s8] =	ssyncadd.s32 s6;
	_ =	sdelay $0x1  }
0xa2: {  	s23 =	simm.s32 $0x1B8B  }
0xa3: {  	_ =	swait.ge [sflag:s23], $0x1  }
0xa4: {  	[sflag:s23] =	ssyncset.done $0x0  }
0xa5: {  	[sflag:s23] =	ssyncadd.s32 $0xFFFFFFFF  }
0xa6: {  	s6 =	sld [smem:$0x0]  }
0xa7: {  	s7 =	sand.u32 $0xFFFFFFFE, s1  }
0xa8: {  	p0 =	sne.s32 s1, s7  }
0xa9: {  	s7 =	sshll.u32 @p0 s7, $0xE  }
0xaa: {  	s7 =	sadd.s32 @p0 $0x11B8D, s7;
	s8 =	sshll.u32 @p0 s6, $0x11  }
0xab: {  	s7 =	sor.u32 @p0 s8, s7  }
0xac: {  	[sflag:s7] =	ssyncadd.remote.s32 @p0 $0x1;
	_ =	sdelay $0x1  }
0xad: {  	s7 =	simm.s32 @p0 $0x1B8D  }
0xae: {  	_ =	swait.eq @p0 [sflag:s7], $0x1  }
0xaf: {  	[sflag:s7] =	ssyncadd.s32 @p0 $0xFFFFFFFF  }
0xb0: {  	s8 =	sshll.u32 @!p0 s1, $0xE  }
0xb1: {  	s8 =	sor.u32 @!p0 $0x4000, s8;
	s7 =	simm.s32 @!p0 $0x1B8D  }
0xb2: {  	s6 =	sshll.u32 @!p0 s6, $0x11;
	s8 =	sadd.s32 @!p0 $0x11B8D, s8;
	_ =	swait.eq @!p0 [sflag:s7], $0x1  }
0xb3: {  	s6 =	sor.u32 @!p0 s6, s8;
	[sflag:s7] =	ssyncadd.s32 @!p0 $0xFFFFFFFF  }
0xb4: {  	s25 =	simm.s32 $0x1B8E;
	s24 =	sld [smem:$0x3FFE];
	[sflag:s6] =	ssyncadd.remote.s32 @!p0 $0x1  }
0xb5: {  	s26 =	simm.s32 $execute0_lowered;
	[smem:$0x3FD2] =	sst s25  }
0xb6: {  	s7 =	sshll.u32 s26, $0x1;
	_ =	strace $0x80000049;
	[dreg:$0x1] =	wrdreg $0xFFFFFFFF  }
0xb7: {  	s28 =	simm.s32 $_size_execute0_lowered;
	s5 =	sadd.s32 s5, s7;
	[dreg:$0x0] =	wrdreg $0x0  }
0xb8: {  	s7 =	sshll.u32 s28, $0x1;
	[dreg:$0x2] =	wrdreg s5  }
0xb9: {  	[dreg:$0x3] =	wrdreg s7  }
0xba: {  	[dreg:$0x4] =	wrdreg $0xC0  }
0xbb: {  	_ =	task [dreg:s22], $0x5FFFF  }
0xbc: {  	[dreg:$0x1] =	wrdreg $0xFFFFFFFF  }
0xbd: {  	[dreg:$0x0] =	wrdreg $0x60  }
0xbe: {  	[dreg:$0x2] =	wrdreg s24  }
0xbf: {  	[dreg:$0x3] =	wrdreg s18  }
0xc0: {  	[dreg:$0x4] =	wrdreg s4  }
0xc1: {  	[dreg:$0x5] =	wrdreg $0xA  }
0xc2: {  	_ =	task.clear_ibuf [dreg:s22], $0x6FFFF;
	_ =	strace $0x90000049  }
0xc3: {  	s29 =	simm.s32 $0xA;
	_ =	strace $0x8000004B  }
0xc4: {  	_ =	swait.ge [sflag:s29], $0x1  }
0xc5: {  	[sflag:s29] =	ssyncadd.s32 $0xFFFFFFFF  }
0xc6: {  	_ =	strace $0x9000004B  }
0xc7: {  	_ =	sfence  }
0xc8: {  	s30 =	sld [smem:$0x0];
	_ =	sdelay $0x2  }
0xc9: {  	s31 =	sshll.u32 s1, $0xD;
	s1 =	sshrl.u32 s1, $0x2  }
0xca: {  	s4 =	sand.u32 $0x4000, s31;
	s1 =	sadd.s32 s1, s30  }
0xcb: {  	s0 =	sor.u32 s4, s0;
	s1 =	sshll.u32 s1, $0x11  }
0xcc: {  	s0 =	sor.u32 s1, s0  }
0xcd: {  	s0 =	sadd.s32 $0x8F2B, s0  }
0xce: {  	[sflag:s0] =	ssyncadd.remote.s32 $0x1  }
0xcf: {  	_ =	sfence.sel $0xFFFF  }
0xd0: {  	[dreg:$0x0] =	wrdreg $0xFFFFFFFF;
	(pc) =	sbr.abs _section_cstart, $3  }
0xd1: {  	[dreg:$0x1] =	wrdreg $0xFFFFFFFF  }
0xd2: {  	_ =	task.clear_ibuf [dreg:s22], $0x2FFFF;
	_ =	strace $0x9FFFFFFF  }
0xd3: {  	(tm) =	ssettm $0x7FFFFFFF  }
tec
execute0_lowered:
.L_overlay_start_1:
0x0: {  	(tag) =	ssettag $0x1  }
0x1: {  	s4 =	rddreg [dreg:$0x0]  }
0x2: {  	s0 =	srdreg.scid;
	s2 =	rddreg [dreg:$0x1]  }
0x3: {  	s3 =	stileid.u32;
	s7 =	rddreg [dreg:$0x2];
	s16 =	simm.s32 $0x380  }
0x4: {  	s28 =	simm.s32 $0x1380;
	s29 =	simm.s32 $0x1B80;
	s10 =	simm.s32 $0x5380  }
0x5: {  	s12 =	simm.s32 $0x5B80;
	s13 =	simm.s32 $0x6380;
	s14 =	simm.s32 $0x6B80  }
0x6: {  	s17 =	simm.s32 $0x7380;
	s18 =	simm.s32 $0x7B80;
	s19 =	simm.s32 $0x8380  }
0x7: {  	s20 =	simm.s32 $0x8B80;
	s21 =	simm.s32 $0x9380;
	s11 =	simm.s32 $0x9B80  }
0x8: {  	s31 =	simm.s32 $0xA380;
	s30 =	simm.s32 $0xAB80;
	s15 =	simm.s32 $0x1  }
0x9: {  	s22 =	simm.s32 $0x2;
	s23 =	simm.s32 $0x3;
	s0 =	sand.u32 $0x1, s0  }
0xa: {  	s1 =	sshll.u32 s3, $0x1;
	s5 =	smul.u32 $0x640, s3;
	s3 =	simm.s32 $0x0  }
0xb: {  	s1 =	sor.u32 s0, s1;
	s6 =	smul.u32 $0x320, s0;
	s0 =	ssub.s32 $0x2, s0  }
0xc: {  	[smem:$0x7FF] =	sst s3;
	s1 =	smul.u32 $0x320, s1;
	s8 =	sshrl.u32 s0, $0x1  }
0xd: {  	_ =	strace $0x8000004A;
	s5 =	sadd.s32 s6, s5;
	s0 =	ssub.s32 s0, s8  }
0xe: {  	s1 =	sshrl.u32 s1, $0x3;
	s6 =	sadd.s32 $0x50, s5;
	s25 =	sshrl.u32 s5, $0x3  }
0xf: {  	s5 =	sadd.s32 $0x100, s2;
	s4 =	sadd.s32 s1, s4;
	s1 =	smul.u32 $0x300, s1  }
0x10: {  	s0 =	smax.u32 s0, $0x1;
	s6 =	sshrl.u32 s6, $0x3;
	s26 =	smul.u32 $0x300, s25  }
0x11: {  	[dreg:$0x9] =	wrdreg s0;
	s0 =	simm.s32 $0x2B80;
	s25 =	simm.s32 $0x0  }
0x12: {  	s24 =	smul.u32 $0x300, s6;
	s4 =	sadd.s32 $0x25A800, s4;
	[dreg:$0xa] =	wrdreg s25  }
0x13: {  	[dreg:$0x6] =	wrdreg s4;
	s1 =	sadd.s32 s7, s1;
	s4 =	sadd.s32 s26, s7  }
0x14: {  	s6 =	sadd.s32 $0x200, s2;
	s9 =	sadd.s32 $0xF000, s1;
	[dreg:$0x5] =	wrdreg s4  }
0x15: {  	s26 =	simm.s32 $0xB80;
	s8 =	sadd.s32 s24, s7;
	[dreg:$0x7] =	wrdreg s9  }
0x16: {  	v2 =	vlaneseq.u32;
	s1 =	sadd.s32 $0x10E00, s1;
	s4 =	simm.s32 $0x3380;
	[dreg:$0x4] =	wrdreg s8  }
0x17: {  	vm0 =	vmmov $0xffff;
	v1 =	vshrl.u32 v2, $0x3;
	s7 =	simm.s32 $0x3B80;
	s24 =	simm.s32 $0x4;
	[dreg:$0x8] =	wrdreg s1  }
0x18: {  	v0 =	vand.u32 $0x7, v2;
	v2 =	vor.u32 $0x8, v2;
	v1 =	vmul.u32 $0x8, v1;
	s1 =	simm.s32 $0x2380;
	s8 =	simm.s32 $0x4380;
	s9 =	simm.s32 $0x4B80  }
.LBB2_1:
0x19: {  	s25 =	rddreg [dreg:$0x6]  }
0x1a: {  	[tilespmem:s3], [sflag:$0x5] =	stream.linear.gather [hbm4b:s25+s3], $0x320, $0x38;
	[tilespmem:$0x1E380] =	vst v63  }
0x1b: {  	s25 =	simm.s32 $0x5  }
0x1c: {  	_ =	swait.ge [sflag:s25], $0x320  }
0x1d: {  	[sflag:s25] =	ssyncset.done $0x0  }
0x1e: {  	[sflag:s25] =	ssyncadd.s32 $0xFFFFFCE0  }
0x1f: {  	v3 =	vld [tilespmem:$0x0];
	_ =	sdelay $0x4  }
0x20: {  	v4 =	vshrl.u32 v3, $0x3  }
0x21: {  	v4 =	vmul.u32 $0x30, v4  }
0x22: {  	v3 =	vand.u32 $0x7, v3  }
0x23: {  	v3 =	vor.u32 v3, v4  }
0x24: {  	v4 =	vperm.xlane v3, v0;
	_ =	sdelay $0x1  }
0x25: {  	v4 =	vadd.s32 v1, v4;
	_ =	sdelay $0x3  }
0x26: {  	v3 =	vperm.xlane v3, v2  }
0x27: {  	[tilespmem:s16], [sflag:$0x1] =	stream.indirect_vreg.gather [hbm4b:s2+s3], $0x80, v4, vm0, $0xb8;
	[tilespmem:$0x1E380] =	vst v63  }
0x28: {  	v3 =	vadd.s32 v1, v3  }
0x29: {  	[tilespmem:s26], [sflag:$0x1] =	stream.indirect_vreg.gather [hbm4b:s5+s3], $0x80, v4, vm0, $0xb8;
	[tilespmem:$0x1E380] =	vst v63  }
0x2a: {  	_ = 	snop  }
0x2b: {  	[tilespmem:s28], [sflag:$0x1] =	stream.indirect_vreg.gather [hbm4b:s6+s3], $0x80, v4, vm0, $0xb8;
	[tilespmem:$0x1E380] =	vst v63  }
0x2c: {  	_ = 	snop  }
0x2d: {  	[tilespmem:s29], [sflag:$0x1] =	stream.indirect_vreg.gather [hbm4b:s2+s3], $0x80, v3, vm0, $0xb8;
	[tilespmem:$0x1E380] =	vst v63  }
0x2e: {  	_ = 	snop  }
0x2f: {  	[tilespmem:s1], [sflag:$0x1] =	stream.indirect_vreg.gather [hbm4b:s5+s3], $0x80, v3, vm0, $0xb8;
	[tilespmem:$0x1E380] =	vst v63  }
0x30: {  	_ = 	snop  }
0x31: {  	[tilespmem:s0], [sflag:$0x1] =	stream.indirect_vreg.gather [hbm4b:s6+s3], $0x80, v3, vm0, $0xb8;
	[tilespmem:$0x1E380] =	vst v63  }
0x32: {  	v3 =	vld [tilespmem:$0x10];
	_ =	sdelay $0x4  }
0x33: {  	v60 =	vshrl.u32 v3, $0x3  }
0x34: {  	v4 =	vmul.u32 $0x30, v60  }
0x35: {  	v3 =	vand.u32 $0x7, v3  }
0x36: {  	v3 =	vor.u32 v3, v4  }
0x37: {  	v4 =	vperm.xlane v3, v0;
	_ =	sdelay $0x1  }
0x38: {  	v4 =	vadd.s32 v1, v4;
	_ =	sdelay $0x3  }
0x39: {  	v3 =	vperm.xlane v3, v2  }
0x3a: {  	[tilespmem:s4], [sflag:$0x1] =	stream.indirect_vreg.gather [hbm4b:s2+s3], $0x80, v4, vm0, $0xb8;
	[tilespmem:$0x1E380] =	vst v63  }
0x3b: {  	v3 =	vadd.s32 v1, v3  }
0x3c: {  	[tilespmem:s7], [sflag:$0x1] =	stream.indirect_vreg.gather [hbm4b:s5+s3], $0x80, v4, vm0, $0xb8;
	[tilespmem:$0x1E380] =	vst v63  }
0x3d: {  	_ = 	snop  }
0x3e: {  	[tilespmem:s8], [sflag:$0x1] =	stream.indirect_vreg.gather [hbm4b:s6+s3], $0x80, v4, vm0, $0xb8;
	[tilespmem:$0x1E380] =	vst v63  }
0x3f: {  	_ = 	snop  }
0x40: {  	[tilespmem:s9], [sflag:$0x1] =	stream.indirect_vreg.gather [hbm4b:s2+s3], $0x80, v3, vm0, $0xb8;
	[tilespmem:$0x1E380] =	vst v63  }
0x41: {  	_ = 	snop  }
0x42: {  	[tilespmem:s10], [sflag:$0x1] =	stream.indirect_vreg.gather [hbm4b:s5+s3], $0x80, v3, vm0, $0xb8;
	[tilespmem:$0x1E380] =	vst v63  }
0x43: {  	_ = 	snop  }
0x44: {  	[tilespmem:s12], [sflag:$0x1] =	stream.indirect_vreg.gather [hbm4b:s6+s3], $0x80, v3, vm0, $0xb8;
	[tilespmem:$0x1E380] =	vst v63  }
0x45: {  	v3 =	vld [tilespmem:$0x20];
	_ =	sdelay $0x4  }
0x46: {  	v61 =	vshrl.u32 v3, $0x3  }
0x47: {  	v4 =	vmul.u32 $0x30, v61  }
0x48: {  	v3 =	vand.u32 $0x7, v3  }
0x49: {  	v3 =	vor.u32 v3, v4  }
0x4a: {  	v4 =	vperm.xlane v3, v0;
	_ =	sdelay $0x1  }
0x4b: {  	v4 =	vadd.s32 v1, v4;
	_ =	sdelay $0x3  }
0x4c: {  	v3 =	vperm.xlane v3, v2  }
0x4d: {  	[tilespmem:s13], [sflag:$0x1] =	stream.indirect_vreg.gather [hbm4b:s2+s3], $0x80, v4, vm0, $0xb8;
	[tilespmem:$0x1E380] =	vst v63  }
0x4e: {  	v3 =	vadd.s32 v1, v3  }
0x4f: {  	[tilespmem:s14], [sflag:$0x1] =	stream.indirect_vreg.gather [hbm4b:s5+s3], $0x80, v4, vm0, $0xb8;
	[tilespmem:$0x1E380] =	vst v63  }
0x50: {  	_ = 	snop  }
0x51: {  	[tilespmem:s17], [sflag:$0x1] =	stream.indirect_vreg.gather [hbm4b:s6+s3], $0x80, v4, vm0, $0xb8;
	[tilespmem:$0x1E380] =	vst v63  }
0x52: {  	_ = 	snop  }
0x53: {  	[tilespmem:s18], [sflag:$0x1] =	stream.indirect_vreg.gather [hbm4b:s2+s3], $0x80, v3, vm0, $0xb8;
	[tilespmem:$0x1E380] =	vst v63  }
0x54: {  	_ = 	snop  }
0x55: {  	[tilespmem:s19], [sflag:$0x1] =	stream.indirect_vreg.gather [hbm4b:s5+s3], $0x80, v3, vm0, $0xb8;
	[tilespmem:$0x1E380] =	vst v63  }
0x56: {  	_ = 	snop  }
0x57: {  	[tilespmem:s20], [sflag:$0x1] =	stream.indirect_vreg.gather [hbm4b:s6+s3], $0x80, v3, vm0, $0xb8;
	[tilespmem:$0x1E380] =	vst v63  }
0x58: {  	v3 =	vld [tilespmem:$0x30];
	_ =	sdelay $0x4  }
0x59: {  	v62 =	vshrl.u32 v3, $0x3  }
0x5a: {  	v4 =	vmul.u32 $0x30, v62  }
0x5b: {  	v3 =	vand.u32 $0x7, v3  }
0x5c: {  	v3 =	vor.u32 v3, v4  }
0x5d: {  	v4 =	vperm.xlane v3, v0;
	_ =	sdelay $0x1  }
0x5e: {  	v4 =	vadd.s32 v1, v4;
	_ =	sdelay $0x3  }
0x5f: {  	v3 =	vperm.xlane v3, v2  }
0x60: {  	[tilespmem:s21], [sflag:$0x1] =	stream.indirect_vreg.gather [hbm4b:s2+s3], $0x80, v4, vm0, $0xb8;
	[tilespmem:$0x1E380] =	vst v63  }
0x61: {  	v3 =	vadd.s32 v1, v3  }
0x62: {  	[tilespmem:s11], [sflag:$0x1] =	stream.indirect_vreg.gather [hbm4b:s5+s3], $0x80, v4, vm0, $0xb8;
	[tilespmem:$0x1E380] =	vst v63  }
0x63: {  	_ = 	snop  }
0x64: {  	[tilespmem:s31], [sflag:$0x1] =	stream.indirect_vreg.gather [hbm4b:s6+s3], $0x80, v4, vm0, $0xb8;
	[tilespmem:$0x1E380] =	vst v63  }
0x65: {  	_ = 	snop  }
0x66: {  	[tilespmem:s30], [sflag:$0x1] =	stream.indirect_vreg.gather [hbm4b:s2+s3], $0x80, v3, vm0, $0xb8;
	[tilespmem:$0x1E380] =	vst v63  }
0x67: {  	s20 =	simm.s32 $0xB380  }
0x68: {  	[tilespmem:s20], [sflag:$0x1] =	stream.indirect_vreg.gather [hbm4b:s5+s3], $0x80, v3, vm0, $0xb8;
	[tilespmem:$0x1E380] =	vst v63  }
0x69: {  	s21 =	simm.s32 $0xBB80  }
0x6a: {  	[tilespmem:s21], [sflag:$0x1] =	stream.indirect_vreg.gather [hbm4b:s6+s3], $0x80, v3, vm0, $0xb8;
	[tilespmem:$0x1E380] =	vst v63  }
0x6b: {  	v3 =	vld [tilespmem:$0x40];
	_ =	sdelay $0x4  }
0x6c: {  	v63 =	vshrl.u32 v3, $0x3  }
0x6d: {  	v4 =	vmul.u32 $0x30, v63  }
0x6e: {  	v3 =	vand.u32 $0x7, v3  }
0x6f: {  	v3 =	vor.u32 v3, v4  }
0x70: {  	v4 =	vperm.xlane v3, v0;
	_ =	sdelay $0x1  }
0x71: {  	v4 =	vadd.s32 v1, v4;
	_ =	sdelay $0x1  }
0x72: {  	s25 =	simm.s32 $0xC380;
	s26 =	simm.s32 $0xCB80  }
0x73: {  	s28 =	simm.s32 $0xF380;
	s29 =	simm.s32 $0xAB80;
	s0 =	simm.s32 $0xE380  }
0x74: {  	s4 =	simm.s32 $0xEB80;
	s7 =	simm.s32 $0x3B80;
	s8 =	simm.s32 $0x4380;
	v3 =	vperm.xlane v3, v2  }
0x75: {  	[tilespmem:s25], [sflag:$0x1] =	stream.indirect_vreg.gather [hbm4b:s2+s3], $0x80, v4, vm0, $0xb8;
	[tilespmem:$0x1E380] =	vst v63  }
0x76: {  	s9 =	simm.s32 $0x4B80;
	s10 =	simm.s32 $0x5380;
	s12 =	simm.s32 $0x5B80;
	v3 =	vadd.s32 v1, v3  }
0x77: {  	[tilespmem:s26], [sflag:$0x1] =	stream.indirect_vreg.gather [hbm4b:s5+s3], $0x80, v4, vm0, $0xb8;
	[tilespmem:$0x1E380] =	vst v63  }
0x78: {  	s13 =	simm.s32 $0x6380;
	s14 =	simm.s32 $0x6B80;
	s31 =	simm.s32 $0xD380  }
0x79: {  	[tilespmem:s31], [sflag:$0x1] =	stream.indirect_vreg.gather [hbm4b:s6+s3], $0x80, v4, vm0, $0xb8;
	[tilespmem:$0x1E380] =	vst v63  }
0x7a: {  	s17 =	simm.s32 $0x7380;
	s18 =	simm.s32 $0x7B80;
	s30 =	simm.s32 $0xDB80  }
0x7b: {  	[tilespmem:s30], [sflag:$0x1] =	stream.indirect_vreg.gather [hbm4b:s2+s3], $0x80, v3, vm0, $0xb8;
	[tilespmem:$0x1E380] =	vst v63  }
0x7c: {  	s19 =	simm.s32 $0x8380;
	s11 =	simm.s32 $0x9B80;
	s20 =	simm.s32 $0x8B80  }
0x7d: {  	[tilespmem:s0], [sflag:$0x1] =	stream.indirect_vreg.gather [hbm4b:s5+s3], $0x80, v3, vm0, $0xb8;
	[tilespmem:$0x1E380] =	vst v63  }
0x7e: {  	s21 =	simm.s32 $0x9380;
	s25 =	simm.s32 $0x70;
	s26 =	simm.s32 $0x0  }
0x7f: {  	[tilespmem:s4], [sflag:$0x1] =	stream.indirect_vreg.gather [hbm4b:s6+s3], $0x80, v3, vm0, $0xb8;
	[tilespmem:$0x1E380] =	vst v63  }
.LBB2_2:
0x80: {  	_ =	swait.ge [sflag:s15], $0xF000  }
0x81: {  	[sflag:s15] =	ssyncset.done $0x0  }
0x82: {  	[sflag:s15] =	ssyncadd.s32 $0xFFFF1000  }
0x83: {  	v3 =	vld [tilespmem:s25+$0xFFFFFFE0];
	_ =	sdelay $0x4  }
0x84: {  	v4 =	vshrl.u32 v3, $0x3  }
0x85: {  	v4 =	vmul.u32 $0x30, v4  }
0x86: {  	v3 =	vand.u32 $0x7, v3  }
0x87: {  	v3 =	vor.u32 v3, v4  }
0x88: {  	v4 =	vperm.xlane v3, v0;
	_ =	sdelay $0x1  }
0x89: {  	v4 =	vadd.s32 v1, v4;
	_ =	sdelay $0x3  }
0x8a: {  	v3 =	vperm.xlane v3, v2  }
0x8b: {  	[tilespmem:s28], [sflag:$0x2] =	stream.indirect_vreg.gather [hbm4b:s2+s3], $0x80, v4, vm0, $0xb8;
	[tilespmem:$0x1E380] =	vst v63  }
0x8c: {  	s1 =	simm.s32 $0xFB80;
	v3 =	vadd.s32 v1, v3  }
0x8d: {  	[tilespmem:s1], [sflag:$0x2] =	stream.indirect_vreg.gather [hbm4b:s5+s3], $0x80, v4, vm0, $0xb8;
	[tilespmem:$0x1E380] =	vst v63  }
0x8e: {  	s16 =	simm.s32 $0x10380  }
0x8f: {  	[tilespmem:s16], [sflag:$0x2] =	stream.indirect_vreg.gather [hbm4b:s6+s3], $0x80, v4, vm0, $0xb8;
	[tilespmem:$0x1E380] =	vst v63  }
0x90: {  	s16 =	simm.s32 $0x10B80  }
0x91: {  	[tilespmem:s16], [sflag:$0x2] =	stream.indirect_vreg.gather [hbm4b:s2+s3], $0x80, v3, vm0, $0xb8;
	[tilespmem:$0x1E380] =	vst v63  }
0x92: {  	s16 =	simm.s32 $0x11380  }
0x93: {  	[tilespmem:s16], [sflag:$0x2] =	stream.indirect_vreg.gather [hbm4b:s5+s3], $0x80, v3, vm0, $0xb8;
	[tilespmem:$0x1E380] =	vst v63  }
0x94: {  	s16 =	simm.s32 $0x11B80  }
0x95: {  	[tilespmem:s16], [sflag:$0x2] =	stream.indirect_vreg.gather [hbm4b:s6+s3], $0x80, v3, vm0, $0xb8;
	[tilespmem:$0x1E380] =	vst v63  }
0x96: {  	v3 =	vld [tilespmem:s25+$0xFFFFFFF0];
	_ =	sdelay $0x4  }
0x97: {  	v55 =	vshrl.u32 v3, $0x3  }
0x98: {  	v4 =	vmul.u32 $0x30, v55  }
0x99: {  	v3 =	vand.u32 $0x7, v3  }
0x9a: {  	v3 =	vor.u32 v3, v4  }
0x9b: {  	v4 =	vperm.xlane v3, v0;
	_ =	sdelay $0x1  }
0x9c: {  	v4 =	vadd.s32 v1, v4;
	_ =	sdelay $0x3  }
0x9d: {  	s16 =	simm.s32 $0x12380;
	v3 =	vperm.xlane v3, v2  }
0x9e: {  	[tilespmem:s16], [sflag:$0x2] =	stream.indirect_vreg.gather [hbm4b:s2+s3], $0x80, v4, vm0, $0xb8;
	[tilespmem:$0x1E380] =	vst v63  }
0x9f: {  	v3 =	vadd.s32 v1, v3;
	s16 =	simm.s32 $0x12B80  }
0xa0: {  	[tilespmem:s16], [sflag:$0x2] =	stream.indirect_vreg.gather [hbm4b:s5+s3], $0x80, v4, vm0, $0xb8;
	[tilespmem:$0x1E380] =	vst v63  }
0xa1: {  	s16 =	simm.s32 $0x13380  }
0xa2: {  	[tilespmem:s16], [sflag:$0x2] =	stream.indirect_vreg.gather [hbm4b:s6+s3], $0x80, v4, vm0, $0xb8;
	[tilespmem:$0x1E380] =	vst v63  }
0xa3: {  	s16 =	simm.s32 $0x13B80  }
0xa4: {  	[tilespmem:s16], [sflag:$0x2] =	stream.indirect_vreg.gather [hbm4b:s2+s3], $0x80, v3, vm0, $0xb8;
	[tilespmem:$0x1E380] =	vst v63  }
0xa5: {  	s16 =	simm.s32 $0x14380  }
0xa6: {  	[tilespmem:s16], [sflag:$0x2] =	stream.indirect_vreg.gather [hbm4b:s5+s3], $0x80, v3, vm0, $0xb8;
	[tilespmem:$0x1E380] =	vst v63  }
0xa7: {  	s16 =	simm.s32 $0x14B80  }
0xa8: {  	[tilespmem:s16], [sflag:$0x2] =	stream.indirect_vreg.gather [hbm4b:s6+s3], $0x80, v3, vm0, $0xb8;
	[tilespmem:$0x1E380] =	vst v63  }
0xa9: {  	v3 =	vld [tilespmem:s25+$0x0];
	_ =	sdelay $0x4  }
0xaa: {  	v56 =	vshrl.u32 v3, $0x3  }
0xab: {  	v4 =	vmul.u32 $0x30, v56  }
0xac: {  	v3 =	vand.u32 $0x7, v3  }
0xad: {  	v3 =	vor.u32 v3, v4  }
0xae: {  	v4 =	vperm.xlane v3, v0;
	_ =	sdelay $0x1  }
0xaf: {  	v4 =	vadd.s32 v1, v4;
	_ =	sdelay $0x3  }
0xb0: {  	s16 =	simm.s32 $0x15380;
	v3 =	vperm.xlane v3, v2  }
0xb1: {  	[tilespmem:s16], [sflag:$0x2] =	stream.indirect_vreg.gather [hbm4b:s2+s3], $0x80, v4, vm0, $0xb8;
	[tilespmem:$0x1E380] =	vst v63  }
0xb2: {  	v3 =	vadd.s32 v1, v3;
	s16 =	simm.s32 $0x15B80  }
0xb3: {  	[tilespmem:s16], [sflag:$0x2] =	stream.indirect_vreg.gather [hbm4b:s5+s3], $0x80, v4, vm0, $0xb8;
	[tilespmem:$0x1E380] =	vst v63  }
0xb4: {  	s16 =	simm.s32 $0x16380  }
0xb5: {  	[tilespmem:s16], [sflag:$0x2] =	stream.indirect_vreg.gather [hbm4b:s6+s3], $0x80, v4, vm0, $0xb8;
	[tilespmem:$0x1E380] =	vst v63  }
0xb6: {  	s16 =	simm.s32 $0x16B80  }
0xb7: {  	[tilespmem:s16], [sflag:$0x2] =	stream.indirect_vreg.gather [hbm4b:s2+s3], $0x80, v3, vm0, $0xb8;
	[tilespmem:$0x1E380] =	vst v63  }
0xb8: {  	s16 =	simm.s32 $0x17380  }
0xb9: {  	[tilespmem:s16], [sflag:$0x2] =	stream.indirect_vreg.gather [hbm4b:s5+s3], $0x80, v3, vm0, $0xb8;
	[tilespmem:$0x1E380] =	vst v63  }
0xba: {  	s16 =	simm.s32 $0x17B80  }
0xbb: {  	[tilespmem:s16], [sflag:$0x2] =	stream.indirect_vreg.gather [hbm4b:s6+s3], $0x80, v3, vm0, $0xb8;
	[tilespmem:$0x1E380] =	vst v63  }
0xbc: {  	v3 =	vld [tilespmem:s25+$0x10];
	_ =	sdelay $0x4  }
0xbd: {  	v57 =	vshrl.u32 v3, $0x3  }
0xbe: {  	v4 =	vmul.u32 $0x30, v57  }
0xbf: {  	v3 =	vand.u32 $0x7, v3  }
0xc0: {  	v3 =	vor.u32 v3, v4  }
0xc1: {  	v4 =	vperm.xlane v3, v0;
	_ =	sdelay $0x1  }
0xc2: {  	v4 =	vadd.s32 v1, v4;
	_ =	sdelay $0x3  }
0xc3: {  	s16 =	simm.s32 $0x18380;
	v3 =	vperm.xlane v3, v2  }
0xc4: {  	[tilespmem:s16], [sflag:$0x2] =	stream.indirect_vreg.gather [hbm4b:s2+s3], $0x80, v4, vm0, $0xb8;
	[tilespmem:$0x1E380] =	vst v63  }
0xc5: {  	v3 =	vadd.s32 v1, v3;
	s16 =	simm.s32 $0x18B80  }
0xc6: {  	[tilespmem:s16], [sflag:$0x2] =	stream.indirect_vreg.gather [hbm4b:s5+s3], $0x80, v4, vm0, $0xb8;
	[tilespmem:$0x1E380] =	vst v63  }
0xc7: {  	s16 =	simm.s32 $0x19380  }
0xc8: {  	[tilespmem:s16], [sflag:$0x2] =	stream.indirect_vreg.gather [hbm4b:s6+s3], $0x80, v4, vm0, $0xb8;
	[tilespmem:$0x1E380] =	vst v63  }
0xc9: {  	s16 =	simm.s32 $0x19B80  }
0xca: {  	[tilespmem:s16], [sflag:$0x2] =	stream.indirect_vreg.gather [hbm4b:s2+s3], $0x80, v3, vm0, $0xb8;
	[tilespmem:$0x1E380] =	vst v63  }
0xcb: {  	s16 =	simm.s32 $0x1A380  }
0xcc: {  	[tilespmem:s16], [sflag:$0x2] =	stream.indirect_vreg.gather [hbm4b:s5+s3], $0x80, v3, vm0, $0xb8;
	[tilespmem:$0x1E380] =	vst v63  }
0xcd: {  	s16 =	simm.s32 $0x1AB80  }
0xce: {  	[tilespmem:s16], [sflag:$0x2] =	stream.indirect_vreg.gather [hbm4b:s6+s3], $0x80, v3, vm0, $0xb8;
	[tilespmem:$0x1E380] =	vst v63  }
0xcf: {  	v3 =	vld [tilespmem:s25+$0x20];
	_ =	sdelay $0x4  }
0xd0: {  	v58 =	vshrl.u32 v3, $0x3  }
0xd1: {  	v4 =	vmul.u32 $0x30, v58  }
0xd2: {  	v3 =	vand.u32 $0x7, v3  }
0xd3: {  	v3 =	vor.u32 v3, v4  }
0xd4: {  	v4 =	vperm.xlane v3, v0;
	_ =	sdelay $0x1  }
0xd5: {  	v4 =	vadd.s32 v1, v4;
	_ =	sdelay $0x3  }
0xd6: {  	s16 =	simm.s32 $0x1B380;
	v3 =	vperm.xlane v3, v2  }
0xd7: {  	[tilespmem:s16], [sflag:$0x2] =	stream.indirect_vreg.gather [hbm4b:s2+s3], $0x80, v4, vm0, $0xb8;
	[tilespmem:$0x1E380] =	vst v63  }
0xd8: {  	v3 =	vadd.s32 v1, v3;
	s16 =	simm.s32 $0x1BB80  }
0xd9: {  	[tilespmem:s16], [sflag:$0x2] =	stream.indirect_vreg.gather [hbm4b:s5+s3], $0x80, v4, vm0, $0xb8;
	[tilespmem:$0x1E380] =	vst v63  }
0xda: {  	s16 =	simm.s32 $0x1C380  }
0xdb: {  	[tilespmem:s16], [sflag:$0x2] =	stream.indirect_vreg.gather [hbm4b:s6+s3], $0x80, v4, vm0, $0xb8;
	[tilespmem:$0x1E380] =	vst v63  }
0xdc: {  	s16 =	simm.s32 $0x1CB80  }
0xdd: {  	[tilespmem:s16], [sflag:$0x2] =	stream.indirect_vreg.gather [hbm4b:s2+s3], $0x80, v3, vm0, $0xb8;
	[tilespmem:$0x1E380] =	vst v63  }
0xde: {  	s16 =	simm.s32 $0x1D380  }
0xdf: {  	[tilespmem:s16], [sflag:$0x2] =	stream.indirect_vreg.gather [hbm4b:s5+s3], $0x80, v3, vm0, $0xb8;
	[tilespmem:$0x1E380] =	vst v63  }
0xe0: {  	s28 =	rddreg [dreg:$0x5];
	s16 =	simm.s32 $0x1DB80  }
0xe1: {  	[tilespmem:s16], [sflag:$0x2] =	stream.indirect_vreg.gather [hbm4b:s6+s3], $0x80, v3, vm0, $0xb8;
	[tilespmem:$0x1E380] =	vst v63  }
0xe2: {  	s31 =	simm.s32 $0x380;
	s28 =	sadd.s32 s26, s28  }
0xe3: {  	[hbm4b:s28+s3] =	stream.linear.scatter [tilespmem:s31], [sflag:$0x3], $0xF000, $0x38;
	[tilespmem:$0x1E380] =	vst v63  }
0xe4: {  	_ =	swait.ge [sflag:s22], $0xF000  }
0xe5: {  	[sflag:s22] =	ssyncset.done $0x0  }
0xe6: {  	[sflag:s22] =	ssyncadd.s32 $0xFFFF1000  }
0xe7: {  	_ =	swait.ge [sflag:s23], $0xF000  }
0xe8: {  	[sflag:s23] =	ssyncset.done $0x0  }
0xe9: {  	[sflag:s23] =	ssyncadd.s32 $0xFFFF1000  }
0xea: {  	v3 =	vld [tilespmem:s25+$0x30];
	_ =	sdelay $0x4  }
0xeb: {  	v59 =	vshrl.u32 v3, $0x3  }
0xec: {  	v4 =	vmul.u32 $0x30, v59  }
0xed: {  	v3 =	vand.u32 $0x7, v3  }
0xee: {  	v3 =	vor.u32 v3, v4  }
0xef: {  	v4 =	vperm.xlane v3, v0;
	_ =	sdelay $0x1  }
0xf0: {  	v4 =	vadd.s32 v1, v4;
	_ =	sdelay $0x3  }
0xf1: {  	v3 =	vperm.xlane v3, v2  }
0xf2: {  	[tilespmem:s31], [sflag:$0x1] =	stream.indirect_vreg.gather [hbm4b:s2+s3], $0x80, v4, vm0, $0xb8;
	[tilespmem:$0x1E380] =	vst v63  }
0xf3: {  	s28 =	simm.s32 $0xB80;
	v3 =	vadd.s32 v1, v3  }
0xf4: {  	[tilespmem:s28], [sflag:$0x1] =	stream.indirect_vreg.gather [hbm4b:s5+s3], $0x80, v4, vm0, $0xb8;
	[tilespmem:$0x1E380] =	vst v63  }
0xf5: {  	s28 =	simm.s32 $0x1380  }
0xf6: {  	[tilespmem:s28], [sflag:$0x1] =	stream.indirect_vreg.gather [hbm4b:s6+s3], $0x80, v4, vm0, $0xb8;
	[tilespmem:$0x1E380] =	vst v63  }
0xf7: {  	s28 =	simm.s32 $0x1B80  }
0xf8: {  	[tilespmem:s28], [sflag:$0x1] =	stream.indirect_vreg.gather [hbm4b:s2+s3], $0x80, v3, vm0, $0xb8;
	[tilespmem:$0x1E380] =	vst v63  }
0xf9: {  	s28 =	simm.s32 $0x2380  }
0xfa: {  	[tilespmem:s28], [sflag:$0x1] =	stream.indirect_vreg.gather [hbm4b:s5+s3], $0x80, v3, vm0, $0xb8;
	[tilespmem:$0x1E380] =	vst v63  }
0xfb: {  	s28 =	simm.s32 $0x2B80  }
0xfc: {  	[tilespmem:s28], [sflag:$0x1] =	stream.indirect_vreg.gather [hbm4b:s6+s3], $0x80, v3, vm0, $0xb8;
	[tilespmem:$0x1E380] =	vst v63  }
0xfd: {  	v3 =	vld [tilespmem:s25+$0x40];
	_ =	sdelay $0x4  }
0xfe: {  	v60 =	vshrl.u32 v3, $0x3  }
0xff: {  	v4 =	vmul.u32 $0x30, v60  }
0x100: {  	v3 =	vand.u32 $0x7, v3  }
0x101: {  	v3 =	vor.u32 v3, v4  }
0x102: {  	v4 =	vperm.xlane v3, v0;
	_ =	sdelay $0x1  }
0x103: {  	v4 =	vadd.s32 v1, v4;
	_ =	sdelay $0x3  }
0x104: {  	s28 =	simm.s32 $0x3380;
	v3 =	vperm.xlane v3, v2  }
0x105: {  	[tilespmem:s28], [sflag:$0x1] =	stream.indirect_vreg.gather [hbm4b:s2+s3], $0x80, v4, vm0, $0xb8;
	[tilespmem:$0x1E380] =	vst v63  }
0x106: {  	v3 =	vadd.s32 v1, v3  }
0x107: {  	[tilespmem:s7], [sflag:$0x1] =	stream.indirect_vreg.gather [hbm4b:s5+s3], $0x80, v4, vm0, $0xb8;
	[tilespmem:$0x1E380] =	vst v63  }
0x108: {  	_ = 	snop  }
0x109: {  	[tilespmem:s8], [sflag:$0x1] =	stream.indirect_vreg.gather [hbm4b:s6+s3], $0x80, v4, vm0, $0xb8;
	[tilespmem:$0x1E380] =	vst v63  }
0x10a: {  	_ = 	snop  }
0x10b: {  	[tilespmem:s9], [sflag:$0x1] =	stream.indirect_vreg.gather [hbm4b:s2+s3], $0x80, v3, vm0, $0xb8;
	[tilespmem:$0x1E380] =	vst v63  }
0x10c: {  	_ = 	snop  }
0x10d: {  	[tilespmem:s10], [sflag:$0x1] =	stream.indirect_vreg.gather [hbm4b:s5+s3], $0x80, v3, vm0, $0xb8;
	[tilespmem:$0x1E380] =	vst v63  }
0x10e: {  	_ = 	snop  }
0x10f: {  	[tilespmem:s12], [sflag:$0x1] =	stream.indirect_vreg.gather [hbm4b:s6+s3], $0x80, v3, vm0, $0xb8;
	[tilespmem:$0x1E380] =	vst v63  }
0x110: {  	v3 =	vld [tilespmem:s25+$0x50];
	_ =	sdelay $0x4  }
0x111: {  	v61 =	vshrl.u32 v3, $0x3  }
0x112: {  	v4 =	vmul.u32 $0x30, v61  }
0x113: {  	v3 =	vand.u32 $0x7, v3  }
0x114: {  	v3 =	vor.u32 v3, v4  }
0x115: {  	v4 =	vperm.xlane v3, v0;
	_ =	sdelay $0x1  }
0x116: {  	v4 =	vadd.s32 v1, v4;
	_ =	sdelay $0x3  }
0x117: {  	v3 =	vperm.xlane v3, v2  }
0x118: {  	[tilespmem:s13], [sflag:$0x1] =	stream.indirect_vreg.gather [hbm4b:s2+s3], $0x80, v4, vm0, $0xb8;
	[tilespmem:$0x1E380] =	vst v63  }
0x119: {  	v3 =	vadd.s32 v1, v3  }
0x11a: {  	[tilespmem:s14], [sflag:$0x1] =	stream.indirect_vreg.gather [hbm4b:s5+s3], $0x80, v4, vm0, $0xb8;
	[tilespmem:$0x1E380] =	vst v63  }
0x11b: {  	_ = 	snop  }
0x11c: {  	[tilespmem:s17], [sflag:$0x1] =	stream.indirect_vreg.gather [hbm4b:s6+s3], $0x80, v4, vm0, $0xb8;
	[tilespmem:$0x1E380] =	vst v63  }
0x11d: {  	_ = 	snop  }
0x11e: {  	[tilespmem:s18], [sflag:$0x1] =	stream.indirect_vreg.gather [hbm4b:s2+s3], $0x80, v3, vm0, $0xb8;
	[tilespmem:$0x1E380] =	vst v63  }
0x11f: {  	_ = 	snop  }
0x120: {  	[tilespmem:s19], [sflag:$0x1] =	stream.indirect_vreg.gather [hbm4b:s5+s3], $0x80, v3, vm0, $0xb8;
	[tilespmem:$0x1E380] =	vst v63  }
0x121: {  	_ = 	snop  }
0x122: {  	[tilespmem:s20], [sflag:$0x1] =	stream.indirect_vreg.gather [hbm4b:s6+s3], $0x80, v3, vm0, $0xb8;
	[tilespmem:$0x1E380] =	vst v63  }
0x123: {  	v3 =	vld [tilespmem:s25+$0x60];
	_ =	sdelay $0x4  }
0x124: {  	v62 =	vshrl.u32 v3, $0x3  }
0x125: {  	v4 =	vmul.u32 $0x30, v62  }
0x126: {  	v3 =	vand.u32 $0x7, v3  }
0x127: {  	v3 =	vor.u32 v3, v4  }
0x128: {  	v4 =	vperm.xlane v3, v0;
	_ =	sdelay $0x1  }
0x129: {  	v4 =	vadd.s32 v1, v4;
	_ =	sdelay $0x3  }
0x12a: {  	v3 =	vperm.xlane v3, v2  }
0x12b: {  	[tilespmem:s21], [sflag:$0x1] =	stream.indirect_vreg.gather [hbm4b:s2+s3], $0x80, v4, vm0, $0xb8;
	[tilespmem:$0x1E380] =	vst v63  }
0x12c: {  	v3 =	vadd.s32 v1, v3  }
0x12d: {  	[tilespmem:s11], [sflag:$0x1] =	stream.indirect_vreg.gather [hbm4b:s5+s3], $0x80, v4, vm0, $0xb8;
	[tilespmem:$0x1E380] =	vst v63  }
0x12e: {  	s31 =	simm.s32 $0xA380  }
0x12f: {  	[tilespmem:s31], [sflag:$0x1] =	stream.indirect_vreg.gather [hbm4b:s6+s3], $0x80, v4, vm0, $0xb8;
	[tilespmem:$0x1E380] =	vst v63  }
0x130: {  	_ = 	snop  }
0x131: {  	[tilespmem:s29], [sflag:$0x1] =	stream.indirect_vreg.gather [hbm4b:s2+s3], $0x80, v3, vm0, $0xb8;
	[tilespmem:$0x1E380] =	vst v63  }
0x132: {  	s28 =	simm.s32 $0xB380  }
0x133: {  	[tilespmem:s28], [sflag:$0x1] =	stream.indirect_vreg.gather [hbm4b:s5+s3], $0x80, v3, vm0, $0xb8;
	[tilespmem:$0x1E380] =	vst v63  }
0x134: {  	s28 =	simm.s32 $0xBB80  }
0x135: {  	[tilespmem:s28], [sflag:$0x1] =	stream.indirect_vreg.gather [hbm4b:s6+s3], $0x80, v3, vm0, $0xb8;
	[tilespmem:$0x1E380] =	vst v63  }
0x136: {  	v3 =	vld [tilespmem:s25+$0x70];
	_ =	sdelay $0x4  }
0x137: {  	v63 =	vshrl.u32 v3, $0x3  }
0x138: {  	v4 =	vmul.u32 $0x30, v63  }
0x139: {  	v3 =	vand.u32 $0x7, v3  }
0x13a: {  	v3 =	vor.u32 v3, v4  }
0x13b: {  	v4 =	vperm.xlane v3, v0;
	_ =	sdelay $0x1  }
0x13c: {  	v4 =	vadd.s32 v1, v4;
	_ =	sdelay $0x3  }
0x13d: {  	s28 =	simm.s32 $0xC380;
	v3 =	vperm.xlane v3, v2  }
0x13e: {  	[tilespmem:s28], [sflag:$0x1] =	stream.indirect_vreg.gather [hbm4b:s2+s3], $0x80, v4, vm0, $0xb8;
	[tilespmem:$0x1E380] =	vst v63  }
0x13f: {  	v3 =	vadd.s32 v1, v3;
	s28 =	simm.s32 $0xCB80  }
0x140: {  	[tilespmem:s28], [sflag:$0x1] =	stream.indirect_vreg.gather [hbm4b:s5+s3], $0x80, v4, vm0, $0xb8;
	[tilespmem:$0x1E380] =	vst v63  }
0x141: {  	s28 =	simm.s32 $0xD380  }
0x142: {  	[tilespmem:s28], [sflag:$0x1] =	stream.indirect_vreg.gather [hbm4b:s6+s3], $0x80, v4, vm0, $0xb8;
	[tilespmem:$0x1E380] =	vst v63  }
0x143: {  	_ = 	snop  }
0x144: {  	[tilespmem:s30], [sflag:$0x1] =	stream.indirect_vreg.gather [hbm4b:s2+s3], $0x80, v3, vm0, $0xb8;
	[tilespmem:$0x1E380] =	vst v63  }
0x145: {  	_ = 	snop  }
0x146: {  	[tilespmem:s0], [sflag:$0x1] =	stream.indirect_vreg.gather [hbm4b:s5+s3], $0x80, v3, vm0, $0xb8;
	[tilespmem:$0x1E380] =	vst v63  }
0x147: {  	p0 =	sne.s32 s26, $0xB400;
	s28 =	rddreg [dreg:$0x4]  }
0x148: {  	[tilespmem:s4], [sflag:$0x1] =	stream.indirect_vreg.gather [hbm4b:s6+s3], $0x80, v3, vm0, $0xb8;
	[tilespmem:$0x1E380] =	vst v63  }
.Ltmp0:
0x149: {  	s1 =	simm.s32 $0xF380;
	s28 =	sadd.s32 s26, s28;
	(pc) =	sbr.rel @p0 .LBB2_2-.Ltmp0, $4  }
0x14a: {  	[hbm4b:s28+s3] =	stream.linear.scatter [tilespmem:s1], [sflag:$0x4], $0xF000, $0x38;
	[tilespmem:$0x1E380] =	vst v63  }
0x14b: {  	_ =	swait.ge [sflag:s24], $0xF000  }
0x14c: {  	s16 =	simm.s32 $0x380;
	s25 =	sadd.s32 $0xA0, s25;
	[sflag:s24] =	ssyncset.done $0x0  }
0x14d: {  	s26 =	sadd.s32 $0x3C00, s26;
	s28 =	simm.s32 $0xF380;
	[sflag:s24] =	ssyncadd.s32 $0xFFFF1000  }
0x14e: {  	_ =	swait.ge [sflag:s15], $0xF000  }
0x14f: {  	[sflag:s15] =	ssyncset.done $0x0  }
0x150: {  	[sflag:s15] =	ssyncadd.s32 $0xFFFF1000  }
0x151: {  	v3 =	vld [tilespmem:$0x2D0];
	_ =	sdelay $0x4  }
0x152: {  	v4 =	vshrl.u32 v3, $0x3  }
0x153: {  	v4 =	vmul.u32 $0x30, v4  }
0x154: {  	v3 =	vand.u32 $0x7, v3  }
0x155: {  	v3 =	vor.u32 v3, v4  }
0x156: {  	v4 =	vperm.xlane v3, v0;
	_ =	sdelay $0x1  }
0x157: {  	v4 =	vadd.s32 v1, v4;
	_ =	sdelay $0x3  }
0x158: {  	v3 =	vperm.xlane v3, v2  }
0x159: {  	[tilespmem:s28], [sflag:$0x2] =	stream.indirect_vreg.gather [hbm4b:s2+s3], $0x80, v4, vm0, $0xb8;
	[tilespmem:$0x1E380] =	vst v63  }
0x15a: {  	s0 =	simm.s32 $0xFB80;
	v3 =	vadd.s32 v1, v3  }
0x15b: {  	[tilespmem:s0], [sflag:$0x2] =	stream.indirect_vreg.gather [hbm4b:s5+s3], $0x80, v4, vm0, $0xb8;
	[tilespmem:$0x1E380] =	vst v63  }
0x15c: {  	s8 =	simm.s32 $0x10380  }
0x15d: {  	[tilespmem:s8], [sflag:$0x2] =	stream.indirect_vreg.gather [hbm4b:s6+s3], $0x80, v4, vm0, $0xb8;
	[tilespmem:$0x1E380] =	vst v63  }
0x15e: {  	s9 =	simm.s32 $0x10B80  }
0x15f: {  	[tilespmem:s9], [sflag:$0x2] =	stream.indirect_vreg.gather [hbm4b:s2+s3], $0x80, v3, vm0, $0xb8;
	[tilespmem:$0x1E380] =	vst v63  }
0x160: {  	s10 =	simm.s32 $0x11380  }
0x161: {  	[tilespmem:s10], [sflag:$0x2] =	stream.indirect_vreg.gather [hbm4b:s5+s3], $0x80, v3, vm0, $0xb8;
	[tilespmem:$0x1E380] =	vst v63  }
0x162: {  	s11 =	simm.s32 $0x11B80  }
0x163: {  	[tilespmem:s11], [sflag:$0x2] =	stream.indirect_vreg.gather [hbm4b:s6+s3], $0x80, v3, vm0, $0xb8;
	[tilespmem:$0x1E380] =	vst v63  }
0x164: {  	v3 =	vld [tilespmem:$0x2E0];
	_ =	sdelay $0x4  }
0x165: {  	v60 =	vshrl.u32 v3, $0x3  }
0x166: {  	v4 =	vmul.u32 $0x30, v60  }
0x167: {  	v3 =	vand.u32 $0x7, v3  }
0x168: {  	v3 =	vor.u32 v3, v4  }
0x169: {  	v4 =	vperm.xlane v3, v0;
	_ =	sdelay $0x1  }
0x16a: {  	v4 =	vadd.s32 v1, v4;
	_ =	sdelay $0x3  }
0x16b: {  	s12 =	simm.s32 $0x12380;
	v3 =	vperm.xlane v3, v2  }
0x16c: {  	[tilespmem:s12], [sflag:$0x2] =	stream.indirect_vreg.gather [hbm4b:s2+s3], $0x80, v4, vm0, $0xb8;
	[tilespmem:$0x1E380] =	vst v63  }
0x16d: {  	s13 =	simm.s32 $0x12B80;
	v3 =	vadd.s32 v1, v3  }
0x16e: {  	[tilespmem:s13], [sflag:$0x2] =	stream.indirect_vreg.gather [hbm4b:s5+s3], $0x80, v4, vm0, $0xb8;
	[tilespmem:$0x1E380] =	vst v63  }
0x16f: {  	s14 =	simm.s32 $0x13380  }
0x170: {  	[tilespmem:s14], [sflag:$0x2] =	stream.indirect_vreg.gather [hbm4b:s6+s3], $0x80, v4, vm0, $0xb8;
	[tilespmem:$0x1E380] =	vst v63  }
0x171: {  	s17 =	simm.s32 $0x13B80  }
0x172: {  	[tilespmem:s17], [sflag:$0x2] =	stream.indirect_vreg.gather [hbm4b:s2+s3], $0x80, v3, vm0, $0xb8;
	[tilespmem:$0x1E380] =	vst v63  }
0x173: {  	s18 =	simm.s32 $0x14380  }
0x174: {  	[tilespmem:s18], [sflag:$0x2] =	stream.indirect_vreg.gather [hbm4b:s5+s3], $0x80, v3, vm0, $0xb8;
	[tilespmem:$0x1E380] =	vst v63  }
0x175: {  	s19 =	simm.s32 $0x14B80  }
0x176: {  	[tilespmem:s19], [sflag:$0x2] =	stream.indirect_vreg.gather [hbm4b:s6+s3], $0x80, v3, vm0, $0xb8;
	[tilespmem:$0x1E380] =	vst v63  }
0x177: {  	v3 =	vld [tilespmem:$0x2F0];
	_ =	sdelay $0x4  }
0x178: {  	v61 =	vshrl.u32 v3, $0x3  }
0x179: {  	v4 =	vmul.u32 $0x30, v61  }
0x17a: {  	v3 =	vand.u32 $0x7, v3  }
0x17b: {  	v3 =	vor.u32 v3, v4  }
0x17c: {  	v4 =	vperm.xlane v3, v0;
	_ =	sdelay $0x1  }
0x17d: {  	v4 =	vadd.s32 v1, v4;
	_ =	sdelay $0x3  }
0x17e: {  	s20 =	simm.s32 $0x15380;
	v3 =	vperm.xlane v3, v2  }
0x17f: {  	[tilespmem:s20], [sflag:$0x2] =	stream.indirect_vreg.gather [hbm4b:s2+s3], $0x80, v4, vm0, $0xb8;
	[tilespmem:$0x1E380] =	vst v63  }
0x180: {  	s21 =	simm.s32 $0x15B80;
	v3 =	vadd.s32 v1, v3  }
0x181: {  	[tilespmem:s21], [sflag:$0x2] =	stream.indirect_vreg.gather [hbm4b:s5+s3], $0x80, v4, vm0, $0xb8;
	[tilespmem:$0x1E380] =	vst v63  }
0x182: {  	s25 =	simm.s32 $0x16380  }
0x183: {  	[tilespmem:s25], [sflag:$0x2] =	stream.indirect_vreg.gather [hbm4b:s6+s3], $0x80, v4, vm0, $0xb8;
	[tilespmem:$0x1E380] =	vst v63  }
0x184: {  	s26 =	simm.s32 $0x16B80  }
0x185: {  	[tilespmem:s26], [sflag:$0x2] =	stream.indirect_vreg.gather [hbm4b:s2+s3], $0x80, v3, vm0, $0xb8;
	[tilespmem:$0x1E380] =	vst v63  }
0x186: {  	s1 =	simm.s32 $0x17380  }
0x187: {  	[tilespmem:s1], [sflag:$0x2] =	stream.indirect_vreg.gather [hbm4b:s5+s3], $0x80, v3, vm0, $0xb8;
	[tilespmem:$0x1E380] =	vst v63  }
0x188: {  	s4 =	simm.s32 $0x17B80  }
0x189: {  	[tilespmem:s4], [sflag:$0x2] =	stream.indirect_vreg.gather [hbm4b:s6+s3], $0x80, v3, vm0, $0xb8;
	[tilespmem:$0x1E380] =	vst v63  }
0x18a: {  	v3 =	vld [tilespmem:$0x300];
	_ =	sdelay $0x4  }
0x18b: {  	v62 =	vshrl.u32 v3, $0x3  }
0x18c: {  	v4 =	vmul.u32 $0x30, v62  }
0x18d: {  	v3 =	vand.u32 $0x7, v3  }
0x18e: {  	v3 =	vor.u32 v3, v4  }
0x18f: {  	v4 =	vperm.xlane v3, v0;
	_ =	sdelay $0x1  }
0x190: {  	v4 =	vadd.s32 v1, v4;
	_ =	sdelay $0x3  }
0x191: {  	s7 =	simm.s32 $0x18380;
	v3 =	vperm.xlane v3, v2  }
0x192: {  	[tilespmem:s7], [sflag:$0x2] =	stream.indirect_vreg.gather [hbm4b:s2+s3], $0x80, v4, vm0, $0xb8;
	[tilespmem:$0x1E380] =	vst v63  }
0x193: {  	s8 =	simm.s32 $0x18B80;
	v3 =	vadd.s32 v1, v3  }
0x194: {  	[tilespmem:s8], [sflag:$0x2] =	stream.indirect_vreg.gather [hbm4b:s5+s3], $0x80, v4, vm0, $0xb8;
	[tilespmem:$0x1E380] =	vst v63  }
0x195: {  	s9 =	simm.s32 $0x19380  }
0x196: {  	[tilespmem:s9], [sflag:$0x2] =	stream.indirect_vreg.gather [hbm4b:s6+s3], $0x80, v4, vm0, $0xb8;
	[tilespmem:$0x1E380] =	vst v63  }
0x197: {  	s10 =	simm.s32 $0x19B80  }
0x198: {  	[tilespmem:s10], [sflag:$0x2] =	stream.indirect_vreg.gather [hbm4b:s2+s3], $0x80, v3, vm0, $0xb8;
	[tilespmem:$0x1E380] =	vst v63  }
0x199: {  	s11 =	simm.s32 $0x1A380  }
0x19a: {  	[tilespmem:s11], [sflag:$0x2] =	stream.indirect_vreg.gather [hbm4b:s5+s3], $0x80, v3, vm0, $0xb8;
	[tilespmem:$0x1E380] =	vst v63  }
0x19b: {  	s12 =	simm.s32 $0x1AB80  }
0x19c: {  	[tilespmem:s12], [sflag:$0x2] =	stream.indirect_vreg.gather [hbm4b:s6+s3], $0x80, v3, vm0, $0xb8;
	[tilespmem:$0x1E380] =	vst v63  }
0x19d: {  	v3 =	vld [tilespmem:$0x310];
	_ =	sdelay $0x4  }
0x19e: {  	v63 =	vshrl.u32 v3, $0x3  }
0x19f: {  	v4 =	vmul.u32 $0x30, v63  }
0x1a0: {  	v3 =	vand.u32 $0x7, v3  }
0x1a1: {  	v3 =	vor.u32 v3, v4  }
0x1a2: {  	v4 =	vperm.xlane v3, v0;
	_ =	sdelay $0x1  }
0x1a3: {  	v4 =	vadd.s32 v1, v4;
	_ =	sdelay $0x3  }
0x1a4: {  	s13 =	simm.s32 $0x1B380;
	v3 =	vperm.xlane v3, v2  }
0x1a5: {  	[tilespmem:s13], [sflag:$0x2] =	stream.indirect_vreg.gather [hbm4b:s2+s3], $0x80, v4, vm0, $0xb8;
	[tilespmem:$0x1E380] =	vst v63  }
0x1a6: {  	s14 =	simm.s32 $0x1BB80;
	v3 =	vadd.s32 v1, v3  }
0x1a7: {  	[tilespmem:s14], [sflag:$0x2] =	stream.indirect_vreg.gather [hbm4b:s5+s3], $0x80, v4, vm0, $0xb8;
	[tilespmem:$0x1E380] =	vst v63  }
0x1a8: {  	s17 =	simm.s32 $0x1C380  }
0x1a9: {  	[tilespmem:s17], [sflag:$0x2] =	stream.indirect_vreg.gather [hbm4b:s6+s3], $0x80, v4, vm0, $0xb8;
	[tilespmem:$0x1E380] =	vst v63  }
0x1aa: {  	s18 =	simm.s32 $0x1CB80  }
0x1ab: {  	[tilespmem:s18], [sflag:$0x2] =	stream.indirect_vreg.gather [hbm4b:s2+s3], $0x80, v3, vm0, $0xb8;
	[tilespmem:$0x1E380] =	vst v63  }
0x1ac: {  	s19 =	simm.s32 $0x1D380  }
0x1ad: {  	[tilespmem:s19], [sflag:$0x2] =	stream.indirect_vreg.gather [hbm4b:s5+s3], $0x80, v3, vm0, $0xb8;
	[tilespmem:$0x1E380] =	vst v63  }
0x1ae: {  	s20 =	simm.s32 $0x1DB80  }
0x1af: {  	[tilespmem:s20], [sflag:$0x2] =	stream.indirect_vreg.gather [hbm4b:s6+s3], $0x80, v3, vm0, $0xb8;
	[tilespmem:$0x1E380] =	vst v63  }
0x1b0: {  	s25 =	rddreg [dreg:$0x7]  }
0x1b1: {  	[hbm4b:s25+s3] =	stream.linear.scatter [tilespmem:s16], [sflag:$0x3], $0xF000, $0x38;
	[tilespmem:$0x1E380] =	vst v63  }
0x1b2: {  	_ =	swait.ge [sflag:s22], $0xF000  }
0x1b3: {  	[sflag:s22] =	ssyncset.done $0x0  }
0x1b4: {  	[sflag:s22] =	ssyncadd.s32 $0xFFFF1000  }
0x1b5: {  	_ =	swait.ge [sflag:s23], $0xF000  }
0x1b6: {  	s29 =	simm.s32 $0x1B80;
	[sflag:s23] =	ssyncset.done $0x0  }
0x1b7: {  	s30 =	simm.s32 $0xAB80;
	s21 =	rddreg [dreg:$0x8];
	[sflag:s23] =	ssyncadd.s32 $0xFFFF1000  }
0x1b8: {  	[hbm4b:s21+s3] =	stream.linear.scatter [tilespmem:s28], [sflag:$0x4], $0xF000, $0x38;
	[tilespmem:$0x1E380] =	vst v63  }
0x1b9: {  	s1 =	simm.s32 $0x2380;
	s4 =	simm.s32 $0x3380;
	_ =	swait.ge [sflag:s24], $0xF000  }
0x1ba: {  	s7 =	simm.s32 $0x3B80;
	s8 =	simm.s32 $0x4380;
	s25 =	rddreg [dreg:$0xa]  }
0x1bb: {  	s9 =	simm.s32 $0x4B80;
	s26 =	rddreg [dreg:$0x9];
	s0 =	sadd.s32 $0x1, s25  }
0x1bc: {  	s10 =	simm.s32 $0x5380;
	s11 =	simm.s32 $0x9B80;
	p0 =	sne.s32 s0, s26  }
.Ltmp1:
0x1bd: {  	s12 =	simm.s32 $0x5B80;
	s13 =	simm.s32 $0x6380;
	(pc) =	sbr.rel @p0 .LBB2_1-.Ltmp1, $4  }
0x1be: {  	s14 =	simm.s32 $0x6B80;
	s17 =	simm.s32 $0x7380;
	s18 =	simm.s32 $0x7B80  }
0x1bf: {  	s19 =	simm.s32 $0x8380;
	s20 =	simm.s32 $0x8B80;
	[sflag:s24] =	ssyncset.done $0x0  }
0x1c0: {  	s28 =	simm.s32 $0x1380;
	s21 =	simm.s32 $0x9380;
	[sflag:s24] =	ssyncadd.s32 $0xFFFF1000  }
0x1c1: {  	[dreg:$0xa] =	wrdreg s0;
	s26 =	simm.s32 $0xB80;
	s0 =	simm.s32 $0x2B80  }
0x1c2: {  	_ =	sfence.sel $0x180000  }
0x1c3: {  	[bflag:$0x0] =	sbarrier.arrive $0xFFFF  }
0x1c4: {  	_ =	strace $0x9000004A  }
0x1c5: {  	s0 =	stileid.u32;
	[bflag:$0x2] =	sbarrier.arrive $0xFFFF  }
0x1c6: {  	p0 =	sne.s32 s0, $0x0;
	s0 =	rddreg [dreg:$0x3]  }
0x1c7: {  	s0 =	sadd.s32 @!p0 $0x100000, s0  }
0x1c8: {  	[sflag:s0] =	ssyncadd.tile.s32 @!p0 $0x1;
	_ =	shalt  }
.Lfunc_end2:
_tile_overlayer_lowered:
.L_overlay_start_2:
0x1c9: {  	(tag) =	ssettag $0x2  }
0x1ca: {  	s0 =	rddreg [dreg:$0x0];
	s2 =	stileid.u32  }
0x1cb: {  	s1 =	rddreg [dreg:$0x1];
	p0 =	sne.s32 s2, $0x0  }
0x1cc: {  	s3 =	rddreg [dreg:$0x2];
	[bflag:$0x3] =	sbarrier.arrive $0xFFFF;
	s2 =	simm.s32 @!p0 $0x1C05  }
0x1cd: {  	[timem:s3], [sflag:s2] =	dma.local @!p0 [hbm:s0], s1  }
0x1ce: {  	s0 =	simm.s32 @!p0 $0x5  }
0x1cf: {  	_ =	swait.ge @!p0 [sflag:s0], s1  }
0x1d0: {  	s1 =	ssub.s32 @!p0 $0x0, s1;
	[sflag:s0] =	ssyncset.done @!p0 $0x0  }
0x1d1: {  	[sflag:s0] =	ssyncadd.s32 @!p0 s1  }
0x1d2: {  	[bflag:$0x3] =	sbarrier.arrive $0xFFFF  }
0x1d3: {  	_ =	shalt  }

</sc_bundles>
